<compile_context>
chip_gen: v7x
topology: tpu7x:2x2x1
jax: 0.10.2.dev20260603
libtpu: 0.0.44.dev20260713+nightly
codegen_flags: <defaults>
</compile_context>

<pallas_src>
import functools

import jax
import jax.numpy as jnp
from jax import lax
from jax.experimental import pallas as pl
from jax.experimental.pallas import tpu as pltpu
from jax.experimental.pallas import tpu_sc as plsc

N_NODES = 10000
N_EDGES = 320000
N_GRAPHS = 100
D = 128
NC = 2
NS = 16
NW = NC * NS
K = 128
C0 = 140
C1 = 18
E_PAD = NS * (C0 + C1) * K
GARBAGE_ROW = N_NODES
N_ACC = 10240
RPT = N_ACC // NS

BR = 2000
GRID = N_NODES // BR


def _sc_agg_body(h_hbm, src_hbm, dst_hbm, zero_hbm, out_hbm,
                 sidx0, didx0, rows0, sidx1, didx1, rows1, acc, sem0, sem1):
    cid = lax.axis_index("c")
    tid = lax.axis_index("s")

    pltpu.sync_copy(zero_hbm, acc.at[pl.ds(tid * RPT, RPT)])
    plsc.subcore_barrier()

    nchunks = jnp.where(cid == 0, C0, C1)
    base = jnp.where(cid == 0, tid * C0, NS * C0 + tid * C1) * K

    bufs = ((sidx0, didx0, rows0, sem0), (sidx1, didx1, rows1, sem1))

    def stage(b, c):
        sidx, didx, rows, sem = bufs[b]
        off = base + c * K
        pltpu.sync_copy(src_hbm.at[pl.ds(off, K)], sidx)
        pltpu.sync_copy(dst_hbm.at[pl.ds(off, K)], didx)
        pltpu.async_copy(h_hbm.at[sidx], rows, sem)

    @pl.when(nchunks > 0)
    def _p0():
        stage(0, 0)

    @pl.when(nchunks > 1)
    def _p1():
        stage(1, 1)

    def body(i, carry):
        for b in range(2):
            c = 2 * i + b
            sidx, didx, rows, sem = bufs[b]
            pltpu.make_async_copy(h_hbm.at[sidx], rows, sem).wait()
            pltpu.sync_copy(rows, acc.at[didx], add=True)

            @pl.when(c + 2 < nchunks)
            def _prefetch(b=b, c=c):
                stage(b, c + 2)
        return carry

    lax.fori_loop(0, nchunks // 2, body, 0, unroll=False)
    plsc.subcore_barrier()

    pltpu.sync_copy(acc.at[pl.ds(tid * RPT, RPT)],
                    out_hbm.at[pl.ds(cid * N_ACC + tid * RPT, RPT)])


@functools.cache
def _sc_agg_kernel():
    return pl.kernel(
        _sc_agg_body,
        out_type=jax.ShapeDtypeStruct((NC * N_ACC, D), jnp.float32),
        mesh=plsc.VectorSubcoreMesh(core_axis_name="c", subcore_axis_name="s",
                                    num_cores=NC, num_subcores=NS),
        scratch_types=[
            pltpu.VMEM((K,), jnp.int32),
            pltpu.VMEM((K,), jnp.int32),
            pltpu.VMEM((K, D), jnp.float32),
            pltpu.VMEM((K,), jnp.int32),
            pltpu.VMEM((K,), jnp.int32),
            pltpu.VMEM((K, D), jnp.float32),
            pltpu.VMEM_SHARED((N_ACC, D), jnp.float32),
            pltpu.SemaphoreType.DMA,
            pltpu.SemaphoreType.DMA,
        ],
    )


def _tc_conv_body(h_ref, a0_ref, a1_ref, gid_ref, w1_ref, b1_ref, w2_ref,
                  b2_ref, hout_ref, psum_ref, cnt_ref):
    i = pl.program_id(0)
    z = h_ref[...] + a0_ref[0] + a1_ref[0]
    t = jnp.maximum(
        jnp.dot(z, w1_ref[...], preferred_element_type=jnp.float32,
                precision=lax.Precision.HIGHEST)
        + b1_ref[...], 0.0)
    h_new = jnp.maximum(
        jnp.dot(t, w2_ref[...], preferred_element_type=jnp.float32,
                precision=lax.Precision.HIGHEST)
        + b2_ref[...], 0.0)
    hout_ref[...] = h_new

    gids = gid_ref[0, 0]
    oh_t = (lax.broadcasted_iota(jnp.int32, (N_GRAPHS, BR), 0)
            == gids[None, :]).astype(jnp.float32)

    @pl.when(i == 0)
    def _():
        psum_ref[...] = jnp.zeros_like(psum_ref)
        cnt_ref[...] = jnp.zeros_like(cnt_ref)

    psum_ref[...] += jnp.dot(oh_t, h_new, preferred_element_type=jnp.float32,
                precision=lax.Precision.HIGHEST)
    cnt_ref[...] += jnp.sum(oh_t, axis=1, keepdims=True)


_tc_conv = pl.pallas_call(
    _tc_conv_body,
    grid=(GRID,),
    in_specs=[
        pl.BlockSpec((BR, D), lambda i: (i, 0)),
        pl.BlockSpec((1, BR, D), lambda i: (0, i, 0)),
        pl.BlockSpec((1, BR, D), lambda i: (1, i, 0)),
        pl.BlockSpec((1, 1, BR), lambda i: (i, 0, 0)),
        pl.BlockSpec((D, D), lambda i: (0, 0)),
        pl.BlockSpec((1, D), lambda i: (0, 0)),
        pl.BlockSpec((D, D), lambda i: (0, 0)),
        pl.BlockSpec((1, D), lambda i: (0, 0)),
    ],
    out_specs=[
        pl.BlockSpec((BR, D), lambda i: (i, 0)),
        pl.BlockSpec((N_GRAPHS, D), lambda i: (0, 0)),
        pl.BlockSpec((N_GRAPHS, 1), lambda i: (0, 0)),
    ],
    out_shape=[
        jax.ShapeDtypeStruct((N_NODES, D), jnp.float32),
        jax.ShapeDtypeStruct((N_GRAPHS, D), jnp.float32),
        jax.ShapeDtypeStruct((N_GRAPHS, 1), jnp.float32),
    ],
)


def _tc_head_body(p0_ref, p1_ref, cnt_ref, ev_ref, w0a_ref, w0b_ref, b0_ref,
                  *rest):
    out_ref = rest[-1]
    lin_refs = rest[:-1]
    cnt = jnp.maximum(cnt_ref[...], 1.0)
    hg = (p0_ref[...] + 2.0 * p1_ref[...]) / cnt
    x = jnp.dot(hg, w0a_ref[...], preferred_element_type=jnp.float32,
                precision=lax.Precision.HIGHEST)
    x += jnp.dot(ev_ref[...], w0b_ref[...], preferred_element_type=jnp.float32,
                precision=lax.Precision.HIGHEST)
    x = jnp.maximum(x + b0_ref[...], 0.0)
    n_lin = len(lin_refs) // 2
    for j in range(n_lin):
        w_ref, b_ref = lin_refs[2 * j], lin_refs[2 * j + 1]
        x = jnp.dot(x, w_ref[...], preferred_element_type=jnp.float32,
                precision=lax.Precision.HIGHEST) \
            + b_ref[...]
        if j < n_lin - 1:
            x = jnp.maximum(x, 0.0)
    out_ref[...] = x


def _head_call(p0, p1, cnt, ev, w0a, w0b, b0, lins):
    args = [p0, p1, cnt, ev, w0a, w0b, b0]
    for (w, b) in lins:
        args.append(w)
        args.append(b)
    return pl.pallas_call(
        _tc_head_body,
        out_shape=jax.ShapeDtypeStruct((N_GRAPHS, 1), jnp.float32),
    )(*args)


def kernel(in_feat, edge_index, graph_ids, event_feats,
           conv0_W1, conv0_b1, conv0_W2, conv0_b2,
           conv1_W1, conv1_b1, conv1_W2, conv1_b2,
           lin0_W, lin0_b, lin1_W, lin1_b, lin2_W, lin2_b, lin3_W, lin3_b,
           lin4_W, lin4_b, lin5_W, lin5_b, lin6_W, lin6_b):
    npad = E_PAD - N_EDGES
    src_p = jnp.concatenate([edge_index[0],
                             jnp.zeros((npad,), jnp.int32)])
    dst_p = jnp.concatenate([edge_index[1],
                             jnp.full((npad,), GARBAGE_ROW, jnp.int32)])
    zeros_blk = jnp.zeros((RPT, D), jnp.float32)
    gid3 = graph_ids.reshape(GRID, 1, BR)

    b01 = conv0_b1.reshape(1, D)
    b02 = conv0_b2.reshape(1, D)
    b11 = conv1_b1.reshape(1, D)
    b12 = conv1_b2.reshape(1, D)

    sc_agg = _sc_agg_kernel()
    a0 = sc_agg(in_feat, src_p, dst_p, zeros_blk).reshape(NC, N_ACC, D)
    h1, psum0, cnt = _tc_conv(in_feat, a0, a0, gid3,
                              conv0_W1, b01, conv0_W2, b02)
    a1 = sc_agg(h1, src_p, dst_p, zeros_blk).reshape(NC, N_ACC, D)
    h2, psum1, _ = _tc_conv(h1, a1, a1, gid3, conv1_W1, b11, conv1_W2, b12)

    lins = [(lin1_W, lin1_b.reshape(1, -1)), (lin2_W, lin2_b.reshape(1, -1)),
            (lin3_W, lin3_b.reshape(1, -1)), (lin4_W, lin4_b.reshape(1, -1)),
            (lin5_W, lin5_b.reshape(1, -1)), (lin6_W, lin6_b.reshape(1, -1))]
    return _head_call(psum0, psum1, cnt, event_feats,
                      lin0_W[:D], lin0_W[D:], lin0_b.reshape(1, -1), lins)

# --- scband reference (transcript-rebuilt; emitter-appended) ---
"""Pipeline reference for scband-gin-64544768525161 (READ-ONLY COPY).

The authoritative reference and input builder live on the scoring server;
editing this copy changes nothing except your own understanding.
"""

import jax, jax.numpy as jnp
import numpy as np

N_NODES = 10000
N_EDGES = 320000
N_GRAPHS = 100
D_FEAT = 128
H_FEATS = 128
N_EVENT = 16
LIN_DIMS = [(144, 256), (256, 128), (128, 128), (128, 64), (64, 64), (64, 32), (32, 1)]


def _init_linear(key, fan_in, fan_out):
    k1, k2 = jax.random.split(key)
    bound = 1.0 / np.sqrt(fan_in)
    W = jax.random.uniform(k1, (fan_in, fan_out), minval=-bound, maxval=bound, dtype=jnp.float32)
    b = jax.random.uniform(k2, (fan_out,), minval=-bound, maxval=bound, dtype=jnp.float32)
    return W, b


def setup_inputs(seed: int = 0):
    key = jax.random.key(seed)
    ks = jax.random.split(key, 40)
    inp = {}
    inp["in_feat"] = jax.random.normal(ks[0], (N_NODES, D_FEAT), dtype=jnp.float32)
    inp["edge_index"] = jax.random.randint(ks[1], (2, N_EDGES), 0, N_NODES, dtype=jnp.int32)
    inp["graph_ids"] = jnp.sort(jax.random.randint(ks[2], (N_NODES,), 0, N_GRAPHS, dtype=jnp.int32))
    inp["event_feats"] = jax.random.normal(ks[3], (N_GRAPHS, N_EVENT), dtype=jnp.float32)
    kidx = 4
    for c in range(2):
        fin = D_FEAT if c == 0 else H_FEATS
        W1, b1 = _init_linear(ks[kidx], fin, H_FEATS); kidx += 1
        W2, b2 = _init_linear(ks[kidx], H_FEATS, H_FEATS); kidx += 1
        inp["conv%d_W1" % c] = W1; inp["conv%d_b1" % c] = b1
        inp["conv%d_W2" % c] = W2; inp["conv%d_b2" % c] = b2
    for i, (fin, fout) in enumerate(LIN_DIMS):
        W, b = _init_linear(ks[kidx], fin, fout); kidx += 1
        inp["lin%d_W" % i] = W; inp["lin%d_b" % i] = b
    return inp


def _avg_pool(h, graph_ids):
    s = jax.ops.segment_sum(h, graph_ids, num_segments=N_GRAPHS)
    cnt = jax.ops.segment_sum(jnp.ones((h.shape[0], 1), dtype=h.dtype), graph_ids, num_segments=N_GRAPHS)
    return s / jnp.maximum(cnt, 1.0)


def _gin_conv(h, edge_index, W1, b1, W2, b2):
    src = edge_index[0]
    dst = edge_index[1]
    agg = jax.ops.segment_sum(h[src], dst, num_segments=N_NODES)
    z = h + agg  # DGL GINConv with eps=0: (1+eps)*h + sum-aggregated neighbors
    z = jnp.maximum(z @ W1 + b1, 0.0) @ W2 + b2
    return z


def reference(in_feat, edge_index, graph_ids, event_feats, conv0_W1, conv0_b1, conv0_W2, conv0_b2, conv1_W1, conv1_b1, conv1_W2, conv1_b2, lin0_W, lin0_b, lin1_W, lin1_b, lin2_W, lin2_b, lin3_W, lin3_b, lin4_W, lin4_b, lin5_W, lin5_b, lin6_W, lin6_b):
    h = in_feat
    hidden_reps = []
    conv_params = [(conv0_W1, conv0_b1, conv0_W2, conv0_b2), (conv1_W1, conv1_b1, conv1_W2, conv1_b2)]
    for (W1, b1, W2, b2) in conv_params:
        h = _gin_conv(h, edge_index, W1, b1, W2, b2)
        h = jnp.maximum(h, 0.0)
        hidden_reps.append(_avg_pool(h, graph_ids))
    hg = _avg_pool(h, graph_ids)
    for r in hidden_reps:
        hg = hg + r
    total = jnp.concatenate([hg, event_feats], axis=1).astype(jnp.float32)
    lins = [(lin0_W, lin0_b), (lin1_W, lin1_b), (lin2_W, lin2_b), (lin3_W, lin3_b), (lin4_W, lin4_b), (lin5_W, lin5_b), (lin6_W, lin6_b)]
    for (W, b) in lins[:-1]:
        total = jnp.maximum(total @ W + b, 0.0)
    W, b = lins[-1]
    total = total @ W + b
    return total

if __name__ == "__main__":
    import jax
    _d = setup_inputs()
    print(jax.jit(kernel)(*tuple(_d.values())))

</pallas_src>

<mosaic_0001>
#map = affine_map<(d0, d1) -> (0, 0)>
#map1 = affine_map<(d0, d1) -> (0)>
module attributes {stable_mosaic.version = 14 : i64} {
  func.func @_sc_agg_body(%arg0: i32, %arg1: i32, %arg2: memref<10000x128xf32, #tpu.memory_space<hbm>>, %arg3: memref<323584xi32, #tpu.memory_space<hbm>>, %arg4: memref<323584xi32, #tpu.memory_space<hbm>>, %arg5: memref<640x128xf32, #tpu.memory_space<hbm>>, %arg6: memref<20480x128xf32, #tpu.memory_space<hbm>>, %arg7: memref<128xi32, #tpu.memory_space<vmem>>, %arg8: memref<128xi32, #tpu.memory_space<vmem>>, %arg9: memref<128x128xf32, #tpu.memory_space<vmem>>, %arg10: memref<128xi32, #tpu.memory_space<vmem>>, %arg11: memref<128xi32, #tpu.memory_space<vmem>>, %arg12: memref<128x128xf32, #tpu.memory_space<vmem>>, %arg13: memref<10240x128xf32, #tpu.memory_space<vmem_shared>>, %arg14: memref<!tpu.dma_semaphore, #tpu.memory_space<semaphore_mem>>, %arg15: memref<!tpu.dma_semaphore, #tpu.memory_space<semaphore_mem>>) attributes {dimension_semantics = [#tpu.dimension_semantics<core_parallel>, #tpu.dimension_semantics<subcore_parallel>], iteration_bounds = array<i64: 2, 16>, scalar_prefetch = 0 : i64, scratch_operands = 9 : i64, tpu.core_type = #tpu.core_type<sc_vector_subcore>, window_params = [{transform_indices = #map}, {transform_indices = #map1}, {transform_indices = #map1}, {transform_indices = #map}, {transform_indices = #map}]} {
    %mul3A = arith.constant 640 : i32
    %mul3A_0 = arith.muli %arg1, %mul3A : i32
    "tpu.region"() ({
      %run_scoped3A = tpu.sem_alloc : memref<!tpu.dma_semaphore, #tpu.memory_space<semaphore_mem>>
      %dma_start3A = arith.constant 0 : i32
      %dma_start3A_55 = tpu.memref_slice %arg13[%mul3A_0, %dma_start3A] : memref<10240x128xf32, #tpu.memory_space<vmem_shared>> -> memref<640x128xf32, #tpu.memory_space<vmem_shared>>
      tpu.enqueue_dma source(%arg5 : memref<640x128xf32, #tpu.memory_space<hbm>>) target(%dma_start3A_55 : memref<640x128xf32, #tpu.memory_space<vmem_shared>>) target_semaphore(%run_scoped3A : memref<!tpu.dma_semaphore, #tpu.memory_space<semaphore_mem>>)
      %dma_wait3A = arith.constant 0 : i32
      %dma_wait3A_56 = tpu.memref_slice %arg13[%mul3A_0, %dma_wait3A] : memref<10240x128xf32, #tpu.memory_space<vmem_shared>> -> memref<640x128xf32, #tpu.memory_space<vmem_shared>>
      tpu.wait_dma2 semaphore(%run_scoped3A : memref<!tpu.dma_semaphore, #tpu.memory_space<semaphore_mem>>) src(%arg5 : memref<640x128xf32, #tpu.memory_space<hbm>>) dst(%dma_wait3A_56 : memref<640x128xf32, #tpu.memory_space<vmem_shared>>)
      tpu.yield
    }) : () -> ()
    %barrier3A = arith.constant 0 : index
    tpu.barrier barrier_id(%barrier3A)
    %eq3A = arith.constant 0 : i32
    %eq3A_1 = arith.cmpi eq, %arg0, %eq3A : i32
    %jit3A = arith.constant 140 : i32
    %jit3A_2 = arith.constant 18 : i32
    %select_n3A = arith.select %eq3A_1, %jit3A, %jit3A_2 : i32
    %eq3A_3 = arith.constant 0 : i32
    %eq3A_4 = arith.cmpi eq, %arg0, %eq3A_3 : i32
    %mul3A_5 = arith.constant 140 : i32
    %mul3A_6 = arith.muli %arg1, %mul3A_5 : i32
    %mul3A_7 = arith.constant 18 : i32
    %mul3A_8 = arith.muli %arg1, %mul3A_7 : i32
    %add3A = arith.constant 2240 : i32
    %add3A_9 = arith.addi %add3A, %mul3A_8 : i32
    %select_n3A_10 = arith.select %eq3A_4, %mul3A_6, %add3A_9 : i32
    %mul3A_11 = arith.constant 128 : i32
    %mul3A_12 = arith.muli %select_n3A_10, %mul3A_11 : i32
    %gt3A = arith.constant 0 : i32
    %gt3A_13 = arith.cmpi sgt, %select_n3A, %gt3A : i32
    %convert_element_type3A = arith.extui %gt3A_13 : i1 to i32
    %cond3A = arith.constant 0 : i32
    %cond3A_14 = arith.cmpi ne, %convert_element_type3A, %cond3A : i32
    scf.if %cond3A_14 {
      %add3A_55 = arith.constant 0 : i32
      %add3A_56 = arith.addi %mul3A_12, %add3A_55 : i32
      "tpu.region"() ({
        %run_scoped3A = tpu.sem_alloc : memref<!tpu.dma_semaphore, #tpu.memory_space<semaphore_mem>>
        %dma_start3A_59 = tpu.memref_slice %arg3[%add3A_56] : memref<323584xi32, #tpu.memory_space<hbm>> -> memref<128xi32, #tpu.memory_space<hbm>>
        %dma_start3A_60 = tpu.memref_slice %arg3[%add3A_56] : memref<323584xi32, #tpu.memory_space<hbm>> -> memref<128xi32, #tpu.memory_space<hbm>>
        tpu.enqueue_dma source(%dma_start3A_60 : memref<128xi32, #tpu.memory_space<hbm>>) target(%arg7 : memref<128xi32, #tpu.memory_space<vmem>>) target_semaphore(%run_scoped3A : memref<!tpu.dma_semaphore, #tpu.memory_space<semaphore_mem>>)
        %dma_wait3A = tpu.memref_slice %arg3[%add3A_56] : memref<323584xi32, #tpu.memory_space<hbm>> -> memref<128xi32, #tpu.memory_space<hbm>>
        %dma_wait3A_61 = tpu.memref_slice %arg3[%add3A_56] : memref<323584xi32, #tpu.memory_space<hbm>> -> memref<128xi32, #tpu.memory_space<hbm>>
        tpu.wait_dma2 semaphore(%run_scoped3A : memref<!tpu.dma_semaphore, #tpu.memory_space<semaphore_mem>>) src(%dma_wait3A_61 : memref<128xi32, #tpu.memory_space<hbm>>) dst(%arg7 : memref<128xi32, #tpu.memory_space<vmem>>)
        tpu.yield
      }) : () -> ()
      "tpu.region"() ({
        %run_scoped3A = tpu.sem_alloc : memref<!tpu.dma_semaphore, #tpu.memory_space<semaphore_mem>>
        %dma_start3A_59 = tpu.memref_slice %arg4[%add3A_56] : memref<323584xi32, #tpu.memory_space<hbm>> -> memref<128xi32, #tpu.memory_space<hbm>>
        %dma_start3A_60 = tpu.memref_slice %arg4[%add3A_56] : memref<323584xi32, #tpu.memory_space<hbm>> -> memref<128xi32, #tpu.memory_space<hbm>>
        tpu.enqueue_dma source(%dma_start3A_60 : memref<128xi32, #tpu.memory_space<hbm>>) target(%arg8 : memref<128xi32, #tpu.memory_space<vmem>>) target_semaphore(%run_scoped3A : memref<!tpu.dma_semaphore, #tpu.memory_space<semaphore_mem>>)
        %dma_wait3A = tpu.memref_slice %arg4[%add3A_56] : memref<323584xi32, #tpu.memory_space<hbm>> -> memref<128xi32, #tpu.memory_space<hbm>>
        %dma_wait3A_61 = tpu.memref_slice %arg4[%add3A_56] : memref<323584xi32, #tpu.memory_space<hbm>> -> memref<128xi32, #tpu.memory_space<hbm>>
        tpu.wait_dma2 semaphore(%run_scoped3A : memref<!tpu.dma_semaphore, #tpu.memory_space<semaphore_mem>>) src(%dma_wait3A_61 : memref<128xi32, #tpu.memory_space<hbm>>) dst(%arg8 : memref<128xi32, #tpu.memory_space<vmem>>)
        tpu.yield
      }) : () -> ()
      %dma_start3A = arith.constant 0 : i32
      %dma_start3A_57 = arith.constant 0 : i32
      %dma_start3A_58 = tpu.memref_slice %arg2[%dma_start3A, %dma_start3A_57] : memref<10000x128xf32, #tpu.memory_space<hbm>> -> memref<10000x128xf32, #tpu.memory_space<hbm>>
      tpu.enqueue_indirect_dma source(%dma_start3A_58 : memref<10000x128xf32, #tpu.memory_space<hbm>>) target(%arg9 : memref<128x128xf32, #tpu.memory_space<vmem>>) offsets(%arg7 : memref<128xi32, #tpu.memory_space<vmem>>) semaphore(%arg14 : memref<!tpu.dma_semaphore, #tpu.memory_space<semaphore_mem>>)
    } else {
    }
    %gt3A_15 = arith.constant 1 : i32
    %gt3A_16 = arith.cmpi sgt, %select_n3A, %gt3A_15 : i32
    %convert_element_type3A_17 = arith.extui %gt3A_16 : i1 to i32
    %cond3A_18 = arith.constant 0 : i32
    %cond3A_19 = arith.cmpi ne, %convert_element_type3A_17, %cond3A_18 : i32
    scf.if %cond3A_19 {
      %add3A_55 = arith.constant 128 : i32
      %add3A_56 = arith.addi %mul3A_12, %add3A_55 : i32
      "tpu.region"() ({
        %run_scoped3A = tpu.sem_alloc : memref<!tpu.dma_semaphore, #tpu.memory_space<semaphore_mem>>
        %dma_start3A_59 = tpu.memref_slice %arg3[%add3A_56] : memref<323584xi32, #tpu.memory_space<hbm>> -> memref<128xi32, #tpu.memory_space<hbm>>
        %dma_start3A_60 = tpu.memref_slice %arg3[%add3A_56] : memref<323584xi32, #tpu.memory_space<hbm>> -> memref<128xi32, #tpu.memory_space<hbm>>
        tpu.enqueue_dma source(%dma_start3A_60 : memref<128xi32, #tpu.memory_space<hbm>>) target(%arg10 : memref<128xi32, #tpu.memory_space<vmem>>) target_semaphore(%run_scoped3A : memref<!tpu.dma_semaphore, #tpu.memory_space<semaphore_mem>>)
        %dma_wait3A = tpu.memref_slice %arg3[%add3A_56] : memref<323584xi32, #tpu.memory_space<hbm>> -> memref<128xi32, #tpu.memory_space<hbm>>
        %dma_wait3A_61 = tpu.memref_slice %arg3[%add3A_56] : memref<323584xi32, #tpu.memory_space<hbm>> -> memref<128xi32, #tpu.memory_space<hbm>>
        tpu.wait_dma2 semaphore(%run_scoped3A : memref<!tpu.dma_semaphore, #tpu.memory_space<semaphore_mem>>) src(%dma_wait3A_61 : memref<128xi32, #tpu.memory_space<hbm>>) dst(%arg10 : memref<128xi32, #tpu.memory_space<vmem>>)
        tpu.yield
      }) : () -> ()
      "tpu.region"() ({
        %run_scoped3A = tpu.sem_alloc : memref<!tpu.dma_semaphore, #tpu.memory_space<semaphore_mem>>
        %dma_start3A_59 = tpu.memref_slice %arg4[%add3A_56] : memref<323584xi32, #tpu.memory_space<hbm>> -> memref<128xi32, #tpu.memory_space<hbm>>
        %dma_start3A_60 = tpu.memref_slice %arg4[%add3A_56] : memref<323584xi32, #tpu.memory_space<hbm>> -> memref<128xi32, #tpu.memory_space<hbm>>
        tpu.enqueue_dma source(%dma_start3A_60 : memref<128xi32, #tpu.memory_space<hbm>>) target(%arg11 : memref<128xi32, #tpu.memory_space<vmem>>) target_semaphore(%run_scoped3A : memref<!tpu.dma_semaphore, #tpu.memory_space<semaphore_mem>>)
        %dma_wait3A = tpu.memref_slice %arg4[%add3A_56] : memref<323584xi32, #tpu.memory_space<hbm>> -> memref<128xi32, #tpu.memory_space<hbm>>
        %dma_wait3A_61 = tpu.memref_slice %arg4[%add3A_56] : memref<323584xi32, #tpu.memory_space<hbm>> -> memref<128xi32, #tpu.memory_space<hbm>>
        tpu.wait_dma2 semaphore(%run_scoped3A : memref<!tpu.dma_semaphore, #tpu.memory_space<semaphore_mem>>) src(%dma_wait3A_61 : memref<128xi32, #tpu.memory_space<hbm>>) dst(%arg11 : memref<128xi32, #tpu.memory_space<vmem>>)
        tpu.yield
      }) : () -> ()
      %dma_start3A = arith.constant 0 : i32
      %dma_start3A_57 = arith.constant 0 : i32
      %dma_start3A_58 = tpu.memref_slice %arg2[%dma_start3A, %dma_start3A_57] : memref<10000x128xf32, #tpu.memory_space<hbm>> -> memref<10000x128xf32, #tpu.memory_space<hbm>>
      tpu.enqueue_indirect_dma source(%dma_start3A_58 : memref<10000x128xf32, #tpu.memory_space<hbm>>) target(%arg12 : memref<128x128xf32, #tpu.memory_space<vmem>>) offsets(%arg10 : memref<128xi32, #tpu.memory_space<vmem>>) semaphore(%arg15 : memref<!tpu.dma_semaphore, #tpu.memory_space<semaphore_mem>>)
    } else {
    }
    %jit3A_20 = arith.constant 2 : i32
    %div3A = arith.divsi %select_n3A, %jit3A_20 : i32
    %sign3A = arith.constant 0 : i32
    %sign3A_21 = arith.cmpi sgt, %select_n3A, %sign3A : i32
    %sign3A_22 = arith.extui %sign3A_21 : i1 to i32
    %sign3A_23 = arith.constant 0 : i32
    %sign3A_24 = arith.cmpi slt, %select_n3A, %sign3A_23 : i32
    %sign3A_25 = arith.extui %sign3A_24 : i1 to i32
    %sign3A_26 = arith.subi %sign3A_22, %sign3A_25 : i32
    %sign3A_27 = arith.constant 0 : i32
    %sign3A_28 = arith.cmpi sgt, %jit3A_20, %sign3A_27 : i32
    %sign3A_29 = arith.extui %sign3A_28 : i1 to i32
    %sign3A_30 = arith.constant 0 : i32
    %sign3A_31 = arith.cmpi slt, %jit3A_20, %sign3A_30 : i32
    %sign3A_32 = arith.extui %sign3A_31 : i1 to i32
    %sign3A_33 = arith.subi %sign3A_29, %sign3A_32 : i32
    %ne3A = arith.cmpi ne, %sign3A_26, %sign3A_33 : i32
    %rem3A = arith.remsi %select_n3A, %jit3A_20 : i32
    %ne3A_34 = arith.constant 0 : i32
    %ne3A_35 = arith.cmpi ne, %rem3A, %ne3A_34 : i32
    %and3A = arith.andi %ne3A, %ne3A_35 : i1
    %sub3A = arith.constant 1 : i32
    %sub3A_36 = arith.subi %div3A, %sub3A : i32
    %select_n3A_37 = arith.select %and3A, %sub3A_36, %div3A : i32
    %while3A = arith.constant 0 : i32
    %while3A_38 = arith.constant 0 : i32
    %while3A_39 = arith.subi %select_n3A_37, %while3A_38 : i32
    %while3A_40 = arith.addi %while3A_38, %while3A_39 : i32
    %while3A_41 = arith.constant 1 : i32
    %while3A_42 = arith.divsi %while3A_39, %while3A_41 : i32
    %while3A_43 = arith.muli %while3A_42, %while3A_41 : i32
    %while3A_44 = arith.addi %while3A_38, %while3A_43 : i32
    %while3A_45 = arith.constant 1 : i32
    scf.for %while3A_55 = %while3A_38 to %while3A_44 step %while3A_45  : i32 {
      %mul3A_56 = arith.constant 2 : i32
      %mul3A_57 = arith.muli %mul3A_56, %while3A_55 : i32
      %add3A_58 = arith.constant 0 : i32
      %add3A_59 = arith.addi %mul3A_57, %add3A_58 : i32
      %dma_wait3A = arith.constant 0 : i32
      %dma_wait3A_60 = arith.constant 0 : i32
      %dma_wait3A_61 = tpu.memref_slice %arg2[%dma_wait3A, %dma_wait3A_60] : memref<10000x128xf32, #tpu.memory_space<hbm>> -> memref<10000x128xf32, #tpu.memory_space<hbm>>
      tpu.wait_indirect_dma semaphore(%arg14 : memref<!tpu.dma_semaphore, #tpu.memory_space<semaphore_mem>>) src(%dma_wait3A_61 : memref<10000x128xf32, #tpu.memory_space<hbm>>) dst(%arg9 : memref<128x128xf32, #tpu.memory_space<vmem>>)
      "tpu.region"() ({
        %run_scoped3A = tpu.sem_alloc : memref<!tpu.dma_semaphore, #tpu.memory_space<semaphore_mem>>
        %dma_start3A = arith.constant 0 : i32
        %dma_start3A_80 = arith.constant 0 : i32
        %dma_start3A_81 = tpu.memref_slice %arg13[%dma_start3A, %dma_start3A_80] : memref<10240x128xf32, #tpu.memory_space<vmem_shared>> -> memref<10240x128xf32, #tpu.memory_space<vmem_shared>>
        tpu.enqueue_indirect_dma source(%arg9 : memref<128x128xf32, #tpu.memory_space<vmem>>) target(%dma_start3A_81 : memref<10240x128xf32, #tpu.memory_space<vmem_shared>>) offsets(%arg8 : memref<128xi32, #tpu.memory_space<vmem>>) semaphore(%run_scoped3A : memref<!tpu.dma_semaphore, #tpu.memory_space<semaphore_mem>>) {add = true}
        %dma_wait3A_82 = arith.constant 0 : i32
        %dma_wait3A_83 = arith.constant 0 : i32
        %dma_wait3A_84 = tpu.memref_slice %arg13[%dma_wait3A_82, %dma_wait3A_83] : memref<10240x128xf32, #tpu.memory_space<vmem_shared>> -> memref<10240x128xf32, #tpu.memory_space<vmem_shared>>
        tpu.wait_indirect_dma semaphore(%run_scoped3A : memref<!tpu.dma_semaphore, #tpu.memory_space<semaphore_mem>>) src(%arg9 : memref<128x128xf32, #tpu.memory_space<vmem>>) dst(%dma_wait3A_84 : memref<10240x128xf32, #tpu.memory_space<vmem_shared>>)
        tpu.yield
      }) : () -> ()
      %add3A_62 = arith.constant 2 : i32
      %add3A_63 = arith.addi %add3A_59, %add3A_62 : i32
      %lt3A = arith.cmpi slt, %add3A_63, %select_n3A : i32
      %convert_element_type3A_64 = arith.extui %lt3A : i1 to i32
      %cond3A_65 = arith.constant 0 : i32
      %cond3A_66 = arith.cmpi ne, %convert_element_type3A_64, %cond3A_65 : i32
      scf.if %cond3A_66 {
        %add3A_80 = arith.constant 2 : i32
        %add3A_81 = arith.addi %add3A_59, %add3A_80 : i32
        %mul3A_82 = arith.constant 128 : i32
        %mul3A_83 = arith.muli %add3A_81, %mul3A_82 : i32
        %add3A_84 = arith.addi %mul3A_12, %mul3A_83 : i32
        "tpu.region"() ({
          %run_scoped3A = tpu.sem_alloc : memref<!tpu.dma_semaphore, #tpu.memory_space<semaphore_mem>>
          %dma_start3A_87 = tpu.memref_slice %arg3[%add3A_84] : memref<323584xi32, #tpu.memory_space<hbm>> -> memref<128xi32, #tpu.memory_space<hbm>>
          %dma_start3A_88 = tpu.memref_slice %arg3[%add3A_84] : memref<323584xi32, #tpu.memory_space<hbm>> -> memref<128xi32, #tpu.memory_space<hbm>>
          tpu.enqueue_dma source(%dma_start3A_88 : memref<128xi32, #tpu.memory_space<hbm>>) target(%arg7 : memref<128xi32, #tpu.memory_space<vmem>>) target_semaphore(%run_scoped3A : memref<!tpu.dma_semaphore, #tpu.memory_space<semaphore_mem>>)
          %dma_wait3A_89 = tpu.memref_slice %arg3[%add3A_84] : memref<323584xi32, #tpu.memory_space<hbm>> -> memref<128xi32, #tpu.memory_space<hbm>>
          %dma_wait3A_90 = tpu.memref_slice %arg3[%add3A_84] : memref<323584xi32, #tpu.memory_space<hbm>> -> memref<128xi32, #tpu.memory_space<hbm>>
          tpu.wait_dma2 semaphore(%run_scoped3A : memref<!tpu.dma_semaphore, #tpu.memory_space<semaphore_mem>>) src(%dma_wait3A_90 : memref<128xi32, #tpu.memory_space<hbm>>) dst(%arg7 : memref<128xi32, #tpu.memory_space<vmem>>)
          tpu.yield
        }) : () -> ()
        "tpu.region"() ({
          %run_scoped3A = tpu.sem_alloc : memref<!tpu.dma_semaphore, #tpu.memory_space<semaphore_mem>>
          %dma_start3A_87 = tpu.memref_slice %arg4[%add3A_84] : memref<323584xi32, #tpu.memory_space<hbm>> -> memref<128xi32, #tpu.memory_space<hbm>>
          %dma_start3A_88 = tpu.memref_slice %arg4[%add3A_84] : memref<323584xi32, #tpu.memory_space<hbm>> -> memref<128xi32, #tpu.memory_space<hbm>>
          tpu.enqueue_dma source(%dma_start3A_88 : memref<128xi32, #tpu.memory_space<hbm>>) target(%arg8 : memref<128xi32, #tpu.memory_space<vmem>>) target_semaphore(%run_scoped3A : memref<!tpu.dma_semaphore, #tpu.memory_space<semaphore_mem>>)
          %dma_wait3A_89 = tpu.memref_slice %arg4[%add3A_84] : memref<323584xi32, #tpu.memory_space<hbm>> -> memref<128xi32, #tpu.memory_space<hbm>>
          %dma_wait3A_90 = tpu.memref_slice %arg4[%add3A_84] : memref<323584xi32, #tpu.memory_space<hbm>> -> memref<128xi32, #tpu.memory_space<hbm>>
          tpu.wait_dma2 semaphore(%run_scoped3A : memref<!tpu.dma_semaphore, #tpu.memory_space<semaphore_mem>>) src(%dma_wait3A_90 : memref<128xi32, #tpu.memory_space<hbm>>) dst(%arg8 : memref<128xi32, #tpu.memory_space<vmem>>)
          tpu.yield
        }) : () -> ()
        %dma_start3A = arith.constant 0 : i32
        %dma_start3A_85 = arith.constant 0 : i32
        %dma_start3A_86 = tpu.memref_slice %arg2[%dma_start3A, %dma_start3A_85] : memref<10000x128xf32, #tpu.memory_space<hbm>> -> memref<10000x128xf32, #tpu.memory_space<hbm>>
        tpu.enqueue_indirect_dma source(%dma_start3A_86 : memref<10000x128xf32, #tpu.memory_space<hbm>>) target(%arg9 : memref<128x128xf32, #tpu.memory_space<vmem>>) offsets(%arg7 : memref<128xi32, #tpu.memory_space<vmem>>) semaphore(%arg14 : memref<!tpu.dma_semaphore, #tpu.memory_space<semaphore_mem>>)
      } else {
      }
      %mul3A_67 = arith.constant 2 : i32
      %mul3A_68 = arith.muli %mul3A_67, %while3A_55 : i32
      %add3A_69 = arith.constant 1 : i32
      %add3A_70 = arith.addi %mul3A_68, %add3A_69 : i32
      %dma_wait3A_71 = arith.constant 0 : i32
      %dma_wait3A_72 = arith.constant 0 : i32
      %dma_wait3A_73 = tpu.memref_slice %arg2[%dma_wait3A_71, %dma_wait3A_72] : memref<10000x128xf32, #tpu.memory_space<hbm>> -> memref<10000x128xf32, #tpu.memory_space<hbm>>
      tpu.wait_indirect_dma semaphore(%arg15 : memref<!tpu.dma_semaphore, #tpu.memory_space<semaphore_mem>>) src(%dma_wait3A_73 : memref<10000x128xf32, #tpu.memory_space<hbm>>) dst(%arg12 : memref<128x128xf32, #tpu.memory_space<vmem>>)
      "tpu.region"() ({
        %run_scoped3A = tpu.sem_alloc : memref<!tpu.dma_semaphore, #tpu.memory_space<semaphore_mem>>
        %dma_start3A = arith.constant 0 : i32
        %dma_start3A_80 = arith.constant 0 : i32
        %dma_start3A_81 = tpu.memref_slice %arg13[%dma_start3A, %dma_start3A_80] : memref<10240x128xf32, #tpu.memory_space<vmem_shared>> -> memref<10240x128xf32, #tpu.memory_space<vmem_shared>>
        tpu.enqueue_indirect_dma source(%arg12 : memref<128x128xf32, #tpu.memory_space<vmem>>) target(%dma_start3A_81 : memref<10240x128xf32, #tpu.memory_space<vmem_shared>>) offsets(%arg11 : memref<128xi32, #tpu.memory_space<vmem>>) semaphore(%run_scoped3A : memref<!tpu.dma_semaphore, #tpu.memory_space<semaphore_mem>>) {add = true}
        %dma_wait3A_82 = arith.constant 0 : i32
        %dma_wait3A_83 = arith.constant 0 : i32
        %dma_wait3A_84 = tpu.memref_slice %arg13[%dma_wait3A_82, %dma_wait3A_83] : memref<10240x128xf32, #tpu.memory_space<vmem_shared>> -> memref<10240x128xf32, #tpu.memory_space<vmem_shared>>
        tpu.wait_indirect_dma semaphore(%run_scoped3A : memref<!tpu.dma_semaphore, #tpu.memory_space<semaphore_mem>>) src(%arg12 : memref<128x128xf32, #tpu.memory_space<vmem>>) dst(%dma_wait3A_84 : memref<10240x128xf32, #tpu.memory_space<vmem_shared>>)
        tpu.yield
      }) : () -> ()
      %add3A_74 = arith.constant 2 : i32
      %add3A_75 = arith.addi %add3A_70, %add3A_74 : i32
      %lt3A_76 = arith.cmpi slt, %add3A_75, %select_n3A : i32
      %convert_element_type3A_77 = arith.extui %lt3A_76 : i1 to i32
      %cond3A_78 = arith.constant 0 : i32
      %cond3A_79 = arith.cmpi ne, %convert_element_type3A_77, %cond3A_78 : i32
      scf.if %cond3A_79 {
        %add3A_80 = arith.constant 2 : i32
        %add3A_81 = arith.addi %add3A_70, %add3A_80 : i32
        %mul3A_82 = arith.constant 128 : i32
        %mul3A_83 = arith.muli %add3A_81, %mul3A_82 : i32
        %add3A_84 = arith.addi %mul3A_12, %mul3A_83 : i32
        "tpu.region"() ({
          %run_scoped3A = tpu.sem_alloc : memref<!tpu.dma_semaphore, #tpu.memory_space<semaphore_mem>>
          %dma_start3A_87 = tpu.memref_slice %arg3[%add3A_84] : memref<323584xi32, #tpu.memory_space<hbm>> -> memref<128xi32, #tpu.memory_space<hbm>>
          %dma_start3A_88 = tpu.memref_slice %arg3[%add3A_84] : memref<323584xi32, #tpu.memory_space<hbm>> -> memref<128xi32, #tpu.memory_space<hbm>>
          tpu.enqueue_dma source(%dma_start3A_88 : memref<128xi32, #tpu.memory_space<hbm>>) target(%arg10 : memref<128xi32, #tpu.memory_space<vmem>>) target_semaphore(%run_scoped3A : memref<!tpu.dma_semaphore, #tpu.memory_space<semaphore_mem>>)
          %dma_wait3A_89 = tpu.memref_slice %arg3[%add3A_84] : memref<323584xi32, #tpu.memory_space<hbm>> -> memref<128xi32, #tpu.memory_space<hbm>>
          %dma_wait3A_90 = tpu.memref_slice %arg3[%add3A_84] : memref<323584xi32, #tpu.memory_space<hbm>> -> memref<128xi32, #tpu.memory_space<hbm>>
          tpu.wait_dma2 semaphore(%run_scoped3A : memref<!tpu.dma_semaphore, #tpu.memory_space<semaphore_mem>>) src(%dma_wait3A_90 : memref<128xi32, #tpu.memory_space<hbm>>) dst(%arg10 : memref<128xi32, #tpu.memory_space<vmem>>)
          tpu.yield
        }) : () -> ()
        "tpu.region"() ({
          %run_scoped3A = tpu.sem_alloc : memref<!tpu.dma_semaphore, #tpu.memory_space<semaphore_mem>>
          %dma_start3A_87 = tpu.memref_slice %arg4[%add3A_84] : memref<323584xi32, #tpu.memory_space<hbm>> -> memref<128xi32, #tpu.memory_space<hbm>>
          %dma_start3A_88 = tpu.memref_slice %arg4[%add3A_84] : memref<323584xi32, #tpu.memory_space<hbm>> -> memref<128xi32, #tpu.memory_space<hbm>>
          tpu.enqueue_dma source(%dma_start3A_88 : memref<128xi32, #tpu.memory_space<hbm>>) target(%arg11 : memref<128xi32, #tpu.memory_space<vmem>>) target_semaphore(%run_scoped3A : memref<!tpu.dma_semaphore, #tpu.memory_space<semaphore_mem>>)
          %dma_wait3A_89 = tpu.memref_slice %arg4[%add3A_84] : memref<323584xi32, #tpu.memory_space<hbm>> -> memref<128xi32, #tpu.memory_space<hbm>>
          %dma_wait3A_90 = tpu.memref_slice %arg4[%add3A_84] : memref<323584xi32, #tpu.memory_space<hbm>> -> memref<128xi32, #tpu.memory_space<hbm>>
          tpu.wait_dma2 semaphore(%run_scoped3A : memref<!tpu.dma_semaphore, #tpu.memory_space<semaphore_mem>>) src(%dma_wait3A_90 : memref<128xi32, #tpu.memory_space<hbm>>) dst(%arg11 : memref<128xi32, #tpu.memory_space<vmem>>)
          tpu.yield
        }) : () -> ()
        %dma_start3A = arith.constant 0 : i32
        %dma_start3A_85 = arith.constant 0 : i32
        %dma_start3A_86 = tpu.memref_slice %arg2[%dma_start3A, %dma_start3A_85] : memref<10000x128xf32, #tpu.memory_space<hbm>> -> memref<10000x128xf32, #tpu.memory_space<hbm>>
        tpu.enqueue_indirect_dma source(%dma_start3A_86 : memref<10000x128xf32, #tpu.memory_space<hbm>>) target(%arg12 : memref<128x128xf32, #tpu.memory_space<vmem>>) offsets(%arg10 : memref<128xi32, #tpu.memory_space<vmem>>) semaphore(%arg15 : memref<!tpu.dma_semaphore, #tpu.memory_space<semaphore_mem>>)
      } else {
      }
    }
    %while3A_46 = arith.constant 1 : i32
    scf.for %while3A_55 = %while3A_44 to %while3A_40 step %while3A_46  : i32 {
      %mul3A_56 = arith.constant 2 : i32
      %mul3A_57 = arith.muli %mul3A_56, %while3A_55 : i32
      %add3A_58 = arith.constant 0 : i32
      %add3A_59 = arith.addi %mul3A_57, %add3A_58 : i32
      %dma_wait3A = arith.constant 0 : i32
      %dma_wait3A_60 = arith.constant 0 : i32
      %dma_wait3A_61 = tpu.memref_slice %arg2[%dma_wait3A, %dma_wait3A_60] : memref<10000x128xf32, #tpu.memory_space<hbm>> -> memref<10000x128xf32, #tpu.memory_space<hbm>>
      tpu.wait_indirect_dma semaphore(%arg14 : memref<!tpu.dma_semaphore, #tpu.memory_space<semaphore_mem>>) src(%dma_wait3A_61 : memref<10000x128xf32, #tpu.memory_space<hbm>>) dst(%arg9 : memref<128x128xf32, #tpu.memory_space<vmem>>)
      "tpu.region"() ({
        %run_scoped3A = tpu.sem_alloc : memref<!tpu.dma_semaphore, #tpu.memory_space<semaphore_mem>>
        %dma_start3A = arith.constant 0 : i32
        %dma_start3A_80 = arith.constant 0 : i32
        %dma_start3A_81 = tpu.memref_slice %arg13[%dma_start3A, %dma_start3A_80] : memref<10240x128xf32, #tpu.memory_space<vmem_shared>> -> memref<10240x128xf32, #tpu.memory_space<vmem_shared>>
        tpu.enqueue_indirect_dma source(%arg9 : memref<128x128xf32, #tpu.memory_space<vmem>>) target(%dma_start3A_81 : memref<10240x128xf32, #tpu.memory_space<vmem_shared>>) offsets(%arg8 : memref<128xi32, #tpu.memory_space<vmem>>) semaphore(%run_scoped3A : memref<!tpu.dma_semaphore, #tpu.memory_space<semaphore_mem>>) {add = true}
        %dma_wait3A_82 = arith.constant 0 : i32
        %dma_wait3A_83 = arith.constant 0 : i32
        %dma_wait3A_84 = tpu.memref_slice %arg13[%dma_wait3A_82, %dma_wait3A_83] : memref<10240x128xf32, #tpu.memory_space<vmem_shared>> -> memref<10240x128xf32, #tpu.memory_space<vmem_shared>>
        tpu.wait_indirect_dma semaphore(%run_scoped3A : memref<!tpu.dma_semaphore, #tpu.memory_space<semaphore_mem>>) src(%arg9 : memref<128x128xf32, #tpu.memory_space<vmem>>) dst(%dma_wait3A_84 : memref<10240x128xf32, #tpu.memory_space<vmem_shared>>)
        tpu.yield
      }) : () -> ()
      %add3A_62 = arith.constant 2 : i32
      %add3A_63 = arith.addi %add3A_59, %add3A_62 : i32
      %lt3A = arith.cmpi slt, %add3A_63, %select_n3A : i32
      %convert_element_type3A_64 = arith.extui %lt3A : i1 to i32
      %cond3A_65 = arith.constant 0 : i32
      %cond3A_66 = arith.cmpi ne, %convert_element_type3A_64, %cond3A_65 : i32
      scf.if %cond3A_66 {
        %add3A_80 = arith.constant 2 : i32
        %add3A_81 = arith.addi %add3A_59, %add3A_80 : i32
        %mul3A_82 = arith.constant 128 : i32
        %mul3A_83 = arith.muli %add3A_81, %mul3A_82 : i32
        %add3A_84 = arith.addi %mul3A_12, %mul3A_83 : i32
        "tpu.region"() ({
          %run_scoped3A = tpu.sem_alloc : memref<!tpu.dma_semaphore, #tpu.memory_space<semaphore_mem>>
          %dma_start3A_87 = tpu.memref_slice %arg3[%add3A_84] : memref<323584xi32, #tpu.memory_space<hbm>> -> memref<128xi32, #tpu.memory_space<hbm>>
          %dma_start3A_88 = tpu.memref_slice %arg3[%add3A_84] : memref<323584xi32, #tpu.memory_space<hbm>> -> memref<128xi32, #tpu.memory_space<hbm>>
          tpu.enqueue_dma source(%dma_start3A_88 : memref<128xi32, #tpu.memory_space<hbm>>) target(%arg7 : memref<128xi32, #tpu.memory_space<vmem>>) target_semaphore(%run_scoped3A : memref<!tpu.dma_semaphore, #tpu.memory_space<semaphore_mem>>)
          %dma_wait3A_89 = tpu.memref_slice %arg3[%add3A_84] : memref<323584xi32, #tpu.memory_space<hbm>> -> memref<128xi32, #tpu.memory_space<hbm>>
          %dma_wait3A_90 = tpu.memref_slice %arg3[%add3A_84] : memref<323584xi32, #tpu.memory_space<hbm>> -> memref<128xi32, #tpu.memory_space<hbm>>
          tpu.wait_dma2 semaphore(%run_scoped3A : memref<!tpu.dma_semaphore, #tpu.memory_space<semaphore_mem>>) src(%dma_wait3A_90 : memref<128xi32, #tpu.memory_space<hbm>>) dst(%arg7 : memref<128xi32, #tpu.memory_space<vmem>>)
          tpu.yield
        }) : () -> ()
        "tpu.region"() ({
          %run_scoped3A = tpu.sem_alloc : memref<!tpu.dma_semaphore, #tpu.memory_space<semaphore_mem>>
          %dma_start3A_87 = tpu.memref_slice %arg4[%add3A_84] : memref<323584xi32, #tpu.memory_space<hbm>> -> memref<128xi32, #tpu.memory_space<hbm>>
          %dma_start3A_88 = tpu.memref_slice %arg4[%add3A_84] : memref<323584xi32, #tpu.memory_space<hbm>> -> memref<128xi32, #tpu.memory_space<hbm>>
          tpu.enqueue_dma source(%dma_start3A_88 : memref<128xi32, #tpu.memory_space<hbm>>) target(%arg8 : memref<128xi32, #tpu.memory_space<vmem>>) target_semaphore(%run_scoped3A : memref<!tpu.dma_semaphore, #tpu.memory_space<semaphore_mem>>)
          %dma_wait3A_89 = tpu.memref_slice %arg4[%add3A_84] : memref<323584xi32, #tpu.memory_space<hbm>> -> memref<128xi32, #tpu.memory_space<hbm>>
          %dma_wait3A_90 = tpu.memref_slice %arg4[%add3A_84] : memref<323584xi32, #tpu.memory_space<hbm>> -> memref<128xi32, #tpu.memory_space<hbm>>
          tpu.wait_dma2 semaphore(%run_scoped3A : memref<!tpu.dma_semaphore, #tpu.memory_space<semaphore_mem>>) src(%dma_wait3A_90 : memref<128xi32, #tpu.memory_space<hbm>>) dst(%arg8 : memref<128xi32, #tpu.memory_space<vmem>>)
          tpu.yield
        }) : () -> ()
        %dma_start3A = arith.constant 0 : i32
        %dma_start3A_85 = arith.constant 0 : i32
        %dma_start3A_86 = tpu.memref_slice %arg2[%dma_start3A, %dma_start3A_85] : memref<10000x128xf32, #tpu.memory_space<hbm>> -> memref<10000x128xf32, #tpu.memory_space<hbm>>
        tpu.enqueue_indirect_dma source(%dma_start3A_86 : memref<10000x128xf32, #tpu.memory_space<hbm>>) target(%arg9 : memref<128x128xf32, #tpu.memory_space<vmem>>) offsets(%arg7 : memref<128xi32, #tpu.memory_space<vmem>>) semaphore(%arg14 : memref<!tpu.dma_semaphore, #tpu.memory_space<semaphore_mem>>)
      } else {
      }
      %mul3A_67 = arith.constant 2 : i32
      %mul3A_68 = arith.muli %mul3A_67, %while3A_55 : i32
      %add3A_69 = arith.constant 1 : i32
      %add3A_70 = arith.addi %mul3A_68, %add3A_69 : i32
      %dma_wait3A_71 = arith.constant 0 : i32
      %dma_wait3A_72 = arith.constant 0 : i32
      %dma_wait3A_73 = tpu.memref_slice %arg2[%dma_wait3A_71, %dma_wait3A_72] : memref<10000x128xf32, #tpu.memory_space<hbm>> -> memref<10000x128xf32, #tpu.memory_space<hbm>>
      tpu.wait_indirect_dma semaphore(%arg15 : memref<!tpu.dma_semaphore, #tpu.memory_space<semaphore_mem>>) src(%dma_wait3A_73 : memref<10000x128xf32, #tpu.memory_space<hbm>>) dst(%arg12 : memref<128x128xf32, #tpu.memory_space<vmem>>)
      "tpu.region"() ({
        %run_scoped3A = tpu.sem_alloc : memref<!tpu.dma_semaphore, #tpu.memory_space<semaphore_mem>>
        %dma_start3A = arith.constant 0 : i32
        %dma_start3A_80 = arith.constant 0 : i32
        %dma_start3A_81 = tpu.memref_slice %arg13[%dma_start3A, %dma_start3A_80] : memref<10240x128xf32, #tpu.memory_space<vmem_shared>> -> memref<10240x128xf32, #tpu.memory_space<vmem_shared>>
        tpu.enqueue_indirect_dma source(%arg12 : memref<128x128xf32, #tpu.memory_space<vmem>>) target(%dma_start3A_81 : memref<10240x128xf32, #tpu.memory_space<vmem_shared>>) offsets(%arg11 : memref<128xi32, #tpu.memory_space<vmem>>) semaphore(%run_scoped3A : memref<!tpu.dma_semaphore, #tpu.memory_space<semaphore_mem>>) {add = true}
        %dma_wait3A_82 = arith.constant 0 : i32
        %dma_wait3A_83 = arith.constant 0 : i32
        %dma_wait3A_84 = tpu.memref_slice %arg13[%dma_wait3A_82, %dma_wait3A_83] : memref<10240x128xf32, #tpu.memory_space<vmem_shared>> -> memref<10240x128xf32, #tpu.memory_space<vmem_shared>>
        tpu.wait_indirect_dma semaphore(%run_scoped3A : memref<!tpu.dma_semaphore, #tpu.memory_space<semaphore_mem>>) src(%arg12 : memref<128x128xf32, #tpu.memory_space<vmem>>) dst(%dma_wait3A_84 : memref<10240x128xf32, #tpu.memory_space<vmem_shared>>)
        tpu.yield
      }) : () -> ()
      %add3A_74 = arith.constant 2 : i32
      %add3A_75 = arith.addi %add3A_70, %add3A_74 : i32
      %lt3A_76 = arith.cmpi slt, %add3A_75, %select_n3A : i32
      %convert_element_type3A_77 = arith.extui %lt3A_76 : i1 to i32
      %cond3A_78 = arith.constant 0 : i32
      %cond3A_79 = arith.cmpi ne, %convert_element_type3A_77, %cond3A_78 : i32
      scf.if %cond3A_79 {
        %add3A_80 = arith.constant 2 : i32
        %add3A_81 = arith.addi %add3A_70, %add3A_80 : i32
        %mul3A_82 = arith.constant 128 : i32
        %mul3A_83 = arith.muli %add3A_81, %mul3A_82 : i32
        %add3A_84 = arith.addi %mul3A_12, %mul3A_83 : i32
        "tpu.region"() ({
          %run_scoped3A = tpu.sem_alloc : memref<!tpu.dma_semaphore, #tpu.memory_space<semaphore_mem>>
          %dma_start3A_87 = tpu.memref_slice %arg3[%add3A_84] : memref<323584xi32, #tpu.memory_space<hbm>> -> memref<128xi32, #tpu.memory_space<hbm>>
          %dma_start3A_88 = tpu.memref_slice %arg3[%add3A_84] : memref<323584xi32, #tpu.memory_space<hbm>> -> memref<128xi32, #tpu.memory_space<hbm>>
          tpu.enqueue_dma source(%dma_start3A_88 : memref<128xi32, #tpu.memory_space<hbm>>) target(%arg10 : memref<128xi32, #tpu.memory_space<vmem>>) target_semaphore(%run_scoped3A : memref<!tpu.dma_semaphore, #tpu.memory_space<semaphore_mem>>)
          %dma_wait3A_89 = tpu.memref_slice %arg3[%add3A_84] : memref<323584xi32, #tpu.memory_space<hbm>> -> memref<128xi32, #tpu.memory_space<hbm>>
          %dma_wait3A_90 = tpu.memref_slice %arg3[%add3A_84] : memref<323584xi32, #tpu.memory_space<hbm>> -> memref<128xi32, #tpu.memory_space<hbm>>
          tpu.wait_dma2 semaphore(%run_scoped3A : memref<!tpu.dma_semaphore, #tpu.memory_space<semaphore_mem>>) src(%dma_wait3A_90 : memref<128xi32, #tpu.memory_space<hbm>>) dst(%arg10 : memref<128xi32, #tpu.memory_space<vmem>>)
          tpu.yield
        }) : () -> ()
        "tpu.region"() ({
          %run_scoped3A = tpu.sem_alloc : memref<!tpu.dma_semaphore, #tpu.memory_space<semaphore_mem>>
          %dma_start3A_87 = tpu.memref_slice %arg4[%add3A_84] : memref<323584xi32, #tpu.memory_space<hbm>> -> memref<128xi32, #tpu.memory_space<hbm>>
          %dma_start3A_88 = tpu.memref_slice %arg4[%add3A_84] : memref<323584xi32, #tpu.memory_space<hbm>> -> memref<128xi32, #tpu.memory_space<hbm>>
          tpu.enqueue_dma source(%dma_start3A_88 : memref<128xi32, #tpu.memory_space<hbm>>) target(%arg11 : memref<128xi32, #tpu.memory_space<vmem>>) target_semaphore(%run_scoped3A : memref<!tpu.dma_semaphore, #tpu.memory_space<semaphore_mem>>)
          %dma_wait3A_89 = tpu.memref_slice %arg4[%add3A_84] : memref<323584xi32, #tpu.memory_space<hbm>> -> memref<128xi32, #tpu.memory_space<hbm>>
          %dma_wait3A_90 = tpu.memref_slice %arg4[%add3A_84] : memref<323584xi32, #tpu.memory_space<hbm>> -> memref<128xi32, #tpu.memory_space<hbm>>
          tpu.wait_dma2 semaphore(%run_scoped3A : memref<!tpu.dma_semaphore, #tpu.memory_space<semaphore_mem>>) src(%dma_wait3A_90 : memref<128xi32, #tpu.memory_space<hbm>>) dst(%arg11 : memref<128xi32, #tpu.memory_space<vmem>>)
          tpu.yield
        }) : () -> ()
        %dma_start3A = arith.constant 0 : i32
        %dma_start3A_85 = arith.constant 0 : i32
        %dma_start3A_86 = tpu.memref_slice %arg2[%dma_start3A, %dma_start3A_85] : memref<10000x128xf32, #tpu.memory_space<hbm>> -> memref<10000x128xf32, #tpu.memory_space<hbm>>
        tpu.enqueue_indirect_dma source(%dma_start3A_86 : memref<10000x128xf32, #tpu.memory_space<hbm>>) target(%arg12 : memref<128x128xf32, #tpu.memory_space<vmem>>) offsets(%arg10 : memref<128xi32, #tpu.memory_space<vmem>>) semaphore(%arg15 : memref<!tpu.dma_semaphore, #tpu.memory_space<semaphore_mem>>)
      } else {
      }
    }
    %barrier3A_47 = arith.constant 0 : index
    tpu.barrier barrier_id(%barrier3A_47)
    %mul3A_48 = arith.constant 640 : i32
    %mul3A_49 = arith.muli %arg1, %mul3A_48 : i32
    %mul3A_50 = arith.constant 10240 : i32
    %mul3A_51 = arith.muli %arg0, %mul3A_50 : i32
    %mul3A_52 = arith.constant 640 : i32
    %mul3A_53 = arith.muli %arg1, %mul3A_52 : i32
    %add3A_54 = arith.addi %mul3A_51, %mul3A_53 : i32
    "tpu.region"() ({
      %run_scoped3A = tpu.sem_alloc : memref<!tpu.dma_semaphore, #tpu.memory_space<semaphore_mem>>
      %dma_start3A = arith.constant 0 : i32
      %dma_start3A_55 = tpu.memref_slice %arg6[%add3A_54, %dma_start3A] : memref<20480x128xf32, #tpu.memory_space<hbm>> -> memref<640x128xf32, #tpu.memory_space<hbm>>
      %dma_start3A_56 = arith.constant 0 : i32
      %dma_start3A_57 = tpu.memref_slice %arg13[%mul3A_49, %dma_start3A_56] : memref<10240x128xf32, #tpu.memory_space<vmem_shared>> -> memref<640x128xf32, #tpu.memory_space<vmem_shared>>
      tpu.enqueue_dma source(%dma_start3A_57 : memref<640x128xf32, #tpu.memory_space<vmem_shared>>) target(%dma_start3A_55 : memref<640x128xf32, #tpu.memory_space<hbm>>) target_semaphore(%run_scoped3A : memref<!tpu.dma_semaphore, #tpu.memory_space<semaphore_mem>>)
      %dma_wait3A = arith.constant 0 : i32
      %dma_wait3A_58 = tpu.memref_slice %arg6[%add3A_54, %dma_wait3A] : memref<20480x128xf32, #tpu.memory_space<hbm>> -> memref<640x128xf32, #tpu.memory_space<hbm>>
      %dma_wait3A_59 = arith.constant 0 : i32
      %dma_wait3A_60 = tpu.memref_slice %arg13[%mul3A_49, %dma_wait3A_59] : memref<10240x128xf32, #tpu.memory_space<vmem_shared>> -> memref<640x128xf32, #tpu.memory_space<vmem_shared>>
      tpu.wait_dma2 semaphore(%run_scoped3A : memref<!tpu.dma_semaphore, #tpu.memory_space<semaphore_mem>>) src(%dma_wait3A_60 : memref<640x128xf32, #tpu.memory_space<vmem_shared>>) dst(%dma_wait3A_58 : memref<640x128xf32, #tpu.memory_space<hbm>>)
      tpu.yield
    }) : () -> ()
    return
  }
}

#map = affine_map<(d0, d1) -> (0, 0)>
#map1 = affine_map<(d0, d1) -> (0)>
module attributes {stable_mosaic.version = 14 : i64} {
  func.func @_sc_agg_body(%arg0: i32, %arg1: i32, %arg2: memref<10000x128xf32, #tpu.memory_space<hbm>>, %arg3: memref<323584xi32, #tpu.memory_space<hbm>>, %arg4: memref<323584xi32, #tpu.memory_space<hbm>>, %arg5: memref<640x128xf32, #tpu.memory_space<hbm>>, %arg6: memref<20480x128xf32, #tpu.memory_space<hbm>>, %arg7: memref<128xi32, #tpu.memory_space<vmem>>, %arg8: memref<128xi32, #tpu.memory_space<vmem>>, %arg9: memref<128x128xf32, #tpu.memory_space<vmem>>, %arg10: memref<128xi32, #tpu.memory_space<vmem>>, %arg11: memref<128xi32, #tpu.memory_space<vmem>>, %arg12: memref<128x128xf32, #tpu.memory_space<vmem>>, %arg13: memref<10240x128xf32, #tpu.memory_space<vmem_shared>>, %arg14: memref<!tpu.dma_semaphore, #tpu.memory_space<semaphore_mem>>, %arg15: memref<!tpu.dma_semaphore, #tpu.memory_space<semaphore_mem>>) attributes {dimension_semantics = [#tpu.dimension_semantics<core_parallel>, #tpu.dimension_semantics<subcore_parallel>], iteration_bounds = array<i64: 2, 16>, scalar_prefetch = 0 : i64, scratch_operands = 9 : i64, tpu.core_type = #tpu.core_type<sc_vector_subcore>, window_params = [{transform_indices = #map}, {transform_indices = #map1}, {transform_indices = #map1}, {transform_indices = #map}, {transform_indices = #map}]} {
    %mul3A = arith.constant 640 : i32
    %mul3A_0 = arith.muli %arg1, %mul3A : i32
    "tpu.region"() ({
      %run_scoped3A = tpu.sem_alloc : memref<!tpu.dma_semaphore, #tpu.memory_space<semaphore_mem>>
      %dma_start3A = arith.constant 0 : i32
      %dma_start3A_55 = tpu.memref_slice %arg13[%mul3A_0, %dma_start3A] : memref<10240x128xf32, #tpu.memory_space<vmem_shared>> -> memref<640x128xf32, #tpu.memory_space<vmem_shared>>
      tpu.enqueue_dma source(%arg5 : memref<640x128xf32, #tpu.memory_space<hbm>>) target(%dma_start3A_55 : memref<640x128xf32, #tpu.memory_space<vmem_shared>>) target_semaphore(%run_scoped3A : memref<!tpu.dma_semaphore, #tpu.memory_space<semaphore_mem>>)
      %dma_wait3A = arith.constant 0 : i32
      %dma_wait3A_56 = tpu.memref_slice %arg13[%mul3A_0, %dma_wait3A] : memref<10240x128xf32, #tpu.memory_space<vmem_shared>> -> memref<640x128xf32, #tpu.memory_space<vmem_shared>>
      tpu.wait_dma2 semaphore(%run_scoped3A : memref<!tpu.dma_semaphore, #tpu.memory_space<semaphore_mem>>) src(%arg5 : memref<640x128xf32, #tpu.memory_space<hbm>>) dst(%dma_wait3A_56 : memref<640x128xf32, #tpu.memory_space<vmem_shared>>)
      tpu.yield
    }) : () -> ()
    %barrier3A = arith.constant 0 : index
    tpu.barrier barrier_id(%barrier3A)
    %eq3A = arith.constant 0 : i32
    %eq3A_1 = arith.cmpi eq, %arg0, %eq3A : i32
    %jit3A = arith.constant 140 : i32
    %jit3A_2 = arith.constant 18 : i32
    %select_n3A = arith.select %eq3A_1, %jit3A, %jit3A_2 : i32
    %eq3A_3 = arith.constant 0 : i32
    %eq3A_4 = arith.cmpi eq, %arg0, %eq3A_3 : i32
    %mul3A_5 = arith.constant 140 : i32
    %mul3A_6 = arith.muli %arg1, %mul3A_5 : i32
    %mul3A_7 = arith.constant 18 : i32
    %mul3A_8 = arith.muli %arg1, %mul3A_7 : i32
    %add3A = arith.constant 2240 : i32
    %add3A_9 = arith.addi %add3A, %mul3A_8 : i32
    %select_n3A_10 = arith.select %eq3A_4, %mul3A_6, %add3A_9 : i32
    %mul3A_11 = arith.constant 128 : i32
    %mul3A_12 = arith.muli %select_n3A_10, %mul3A_11 : i32
    %gt3A = arith.constant 0 : i32
    %gt3A_13 = arith.cmpi sgt, %select_n3A, %gt3A : i32
    %convert_element_type3A = arith.extui %gt3A_13 : i1 to i32
    %cond3A = arith.constant 0 : i32
    %cond3A_14 = arith.cmpi ne, %convert_element_type3A, %cond3A : i32
    scf.if %cond3A_14 {
      %add3A_55 = arith.constant 0 : i32
      %add3A_56 = arith.addi %mul3A_12, %add3A_55 : i32
      "tpu.region"() ({
        %run_scoped3A = tpu.sem_alloc : memref<!tpu.dma_semaphore, #tpu.memory_space<semaphore_mem>>
        %dma_start3A_59 = tpu.memref_slice %arg3[%add3A_56] : memref<323584xi32, #tpu.memory_space<hbm>> -> memref<128xi32, #tpu.memory_space<hbm>>
        %dma_start3A_60 = tpu.memref_slice %arg3[%add3A_56] : memref<323584xi32, #tpu.memory_space<hbm>> -> memref<128xi32, #tpu.memory_space<hbm>>
        tpu.enqueue_dma source(%dma_start3A_60 : memref<128xi32, #tpu.memory_space<hbm>>) target(%arg7 : memref<128xi32, #tpu.memory_space<vmem>>) target_semaphore(%run_scoped3A : memref<!tpu.dma_semaphore, #tpu.memory_space<semaphore_mem>>)
        %dma_wait3A = tpu.memref_slice %arg3[%add3A_56] : memref<323584xi32, #tpu.memory_space<hbm>> -> memref<128xi32, #tpu.memory_space<hbm>>
        %dma_wait3A_61 = tpu.memref_slice %arg3[%add3A_56] : memref<323584xi32, #tpu.memory_space<hbm>> -> memref<128xi32, #tpu.memory_space<hbm>>
        tpu.wait_dma2 semaphore(%run_scoped3A : memref<!tpu.dma_semaphore, #tpu.memory_space<semaphore_mem>>) src(%dma_wait3A_61 : memref<128xi32, #tpu.memory_space<hbm>>) dst(%arg7 : memref<128xi32, #tpu.memory_space<vmem>>)
        tpu.yield
      }) : () -> ()
      "tpu.region"() ({
        %run_scoped3A = tpu.sem_alloc : memref<!tpu.dma_semaphore, #tpu.memory_space<semaphore_mem>>
        %dma_start3A_59 = tpu.memref_slice %arg4[%add3A_56] : memref<323584xi32, #tpu.memory_space<hbm>> -> memref<128xi32, #tpu.memory_space<hbm>>
        %dma_start3A_60 = tpu.memref_slice %arg4[%add3A_56] : memref<323584xi32, #tpu.memory_space<hbm>> -> memref<128xi32, #tpu.memory_space<hbm>>
        tpu.enqueue_dma source(%dma_start3A_60 : memref<128xi32, #tpu.memory_space<hbm>>) target(%arg8 : memref<128xi32, #tpu.memory_space<vmem>>) target_semaphore(%run_scoped3A : memref<!tpu.dma_semaphore, #tpu.memory_space<semaphore_mem>>)
        %dma_wait3A = tpu.memref_slice %arg4[%add3A_56] : memref<323584xi32, #tpu.memory_space<hbm>> -> memref<128xi32, #tpu.memory_space<hbm>>
        %dma_wait3A_61 = tpu.memref_slice %arg4[%add3A_56] : memref<323584xi32, #tpu.memory_space<hbm>> -> memref<128xi32, #tpu.memory_space<hbm>>
        tpu.wait_dma2 semaphore(%run_scoped3A : memref<!tpu.dma_semaphore, #tpu.memory_space<semaphore_mem>>) src(%dma_wait3A_61 : memref<128xi32, #tpu.memory_space<hbm>>) dst(%arg8 : memref<128xi32, #tpu.memory_space<vmem>>)
        tpu.yield
      }) : () -> ()
      %dma_start3A = arith.constant 0 : i32
      %dma_start3A_57 = arith.constant 0 : i32
      %dma_start3A_58 = tpu.memref_slice %arg2[%dma_start3A, %dma_start3A_57] : memref<10000x128xf32, #tpu.memory_space<hbm>> -> memref<10000x128xf32, #tpu.memory_space<hbm>>
      tpu.enqueue_indirect_dma source(%dma_start3A_58 : memref<10000x128xf32, #tpu.memory_space<hbm>>) target(%arg9 : memref<128x128xf32, #tpu.memory_space<vmem>>) offsets(%arg7 : memref<128xi32, #tpu.memory_space<vmem>>) semaphore(%arg14 : memref<!tpu.dma_semaphore, #tpu.memory_space<semaphore_mem>>)
    } else {
    }
    %gt3A_15 = arith.constant 1 : i32
    %gt3A_16 = arith.cmpi sgt, %select_n3A, %gt3A_15 : i32
    %convert_element_type3A_17 = arith.extui %gt3A_16 : i1 to i32
    %cond3A_18 = arith.constant 0 : i32
    %cond3A_19 = arith.cmpi ne, %convert_element_type3A_17, %cond3A_18 : i32
    scf.if %cond3A_19 {
      %add3A_55 = arith.constant 128 : i32
      %add3A_56 = arith.addi %mul3A_12, %add3A_55 : i32
      "tpu.region"() ({
        %run_scoped3A = tpu.sem_alloc : memref<!tpu.dma_semaphore, #tpu.memory_space<semaphore_mem>>
        %dma_start3A_59 = tpu.memref_slice %arg3[%add3A_56] : memref<323584xi32, #tpu.memory_space<hbm>> -> memref<128xi32, #tpu.memory_space<hbm>>
        %dma_start3A_60 = tpu.memref_slice %arg3[%add3A_56] : memref<323584xi32, #tpu.memory_space<hbm>> -> memref<128xi32, #tpu.memory_space<hbm>>
        tpu.enqueue_dma source(%dma_start3A_60 : memref<128xi32, #tpu.memory_space<hbm>>) target(%arg10 : memref<128xi32, #tpu.memory_space<vmem>>) target_semaphore(%run_scoped3A : memref<!tpu.dma_semaphore, #tpu.memory_space<semaphore_mem>>)
        %dma_wait3A = tpu.memref_slice %arg3[%add3A_56] : memref<323584xi32, #tpu.memory_space<hbm>> -> memref<128xi32, #tpu.memory_space<hbm>>
        %dma_wait3A_61 = tpu.memref_slice %arg3[%add3A_56] : memref<323584xi32, #tpu.memory_space<hbm>> -> memref<128xi32, #tpu.memory_space<hbm>>
        tpu.wait_dma2 semaphore(%run_scoped3A : memref<!tpu.dma_semaphore, #tpu.memory_space<semaphore_mem>>) src(%dma_wait3A_61 : memref<128xi32, #tpu.memory_space<hbm>>) dst(%arg10 : memref<128xi32, #tpu.memory_space<vmem>>)
        tpu.yield
      }) : () -> ()
      "tpu.region"() ({
        %run_scoped3A = tpu.sem_alloc : memref<!tpu.dma_semaphore, #tpu.memory_space<semaphore_mem>>
        %dma_start3A_59 = tpu.memref_slice %arg4[%add3A_56] : memref<323584xi32, #tpu.memory_space<hbm>> -> memref<128xi32, #tpu.memory_space<hbm>>
        %dma_start3A_60 = tpu.memref_slice %arg4[%add3A_56] : memref<323584xi32, #tpu.memory_space<hbm>> -> memref<128xi32, #tpu.memory_space<hbm>>
        tpu.enqueue_dma source(%dma_start3A_60 : memref<128xi32, #tpu.memory_space<hbm>>) target(%arg11 : memref<128xi32, #tpu.memory_space<vmem>>) target_semaphore(%run_scoped3A : memref<!tpu.dma_semaphore, #tpu.memory_space<semaphore_mem>>)
        %dma_wait3A = tpu.memref_slice %arg4[%add3A_56] : memref<323584xi32, #tpu.memory_space<hbm>> -> memref<128xi32, #tpu.memory_space<hbm>>
        %dma_wait3A_61 = tpu.memref_slice %arg4[%add3A_56] : memref<323584xi32, #tpu.memory_space<hbm>> -> memref<128xi32, #tpu.memory_space<hbm>>
        tpu.wait_dma2 semaphore(%run_scoped3A : memref<!tpu.dma_semaphore, #tpu.memory_space<semaphore_mem>>) src(%dma_wait3A_61 : memref<128xi32, #tpu.memory_space<hbm>>) dst(%arg11 : memref<128xi32, #tpu.memory_space<vmem>>)
        tpu.yield
      }) : () -> ()
      %dma_start3A = arith.constant 0 : i32
      %dma_start3A_57 = arith.constant 0 : i32
      %dma_start3A_58 = tpu.memref_slice %arg2[%dma_start3A, %dma_start3A_57] : memref<10000x128xf32, #tpu.memory_space<hbm>> -> memref<10000x128xf32, #tpu.memory_space<hbm>>
      tpu.enqueue_indirect_dma source(%dma_start3A_58 : memref<10000x128xf32, #tpu.memory_space<hbm>>) target(%arg12 : memref<128x128xf32, #tpu.memory_space<vmem>>) offsets(%arg10 : memref<128xi32, #tpu.memory_space<vmem>>) semaphore(%arg15 : memref<!tpu.dma_semaphore, #tpu.memory_space<semaphore_mem>>)
    } else {
    }
    %jit3A_20 = arith.constant 2 : i32
    %div3A = arith.divsi %select_n3A, %jit3A_20 : i32
    %sign3A = arith.constant 0 : i32
    %sign3A_21 = arith.cmpi sgt, %select_n3A, %sign3A : i32
    %sign3A_22 = arith.extui %sign3A_21 : i1 to i32
    %sign3A_23 = arith.constant 0 : i32
    %sign3A_24 = arith.cmpi slt, %select_n3A, %sign3A_23 : i32
    %sign3A_25 = arith.extui %sign3A_24 : i1 to i32
    %sign3A_26 = arith.subi %sign3A_22, %sign3A_25 : i32
    %sign3A_27 = arith.constant 0 : i32
    %sign3A_28 = arith.cmpi sgt, %jit3A_20, %sign3A_27 : i32
    %sign3A_29 = arith.extui %sign3A_28 : i1 to i32
    %sign3A_30 = arith.constant 0 : i32
    %sign3A_31 = arith.cmpi slt, %jit3A_20, %sign3A_30 : i32
    %sign3A_32 = arith.extui %sign3A_31 : i1 to i32
    %sign3A_33 = arith.subi %sign3A_29, %sign3A_32 : i32
    %ne3A = arith.cmpi ne, %sign3A_26, %sign3A_33 : i32
    %rem3A = arith.remsi %select_n3A, %jit3A_20 : i32
    %ne3A_34 = arith.constant 0 : i32
    %ne3A_35 = arith.cmpi ne, %rem3A, %ne3A_34 : i32
    %and3A = arith.andi %ne3A, %ne3A_35 : i1
    %sub3A = arith.constant 1 : i32
    %sub3A_36 = arith.subi %div3A, %sub3A : i32
    %select_n3A_37 = arith.select %and3A, %sub3A_36, %div3A : i32
    %while3A = arith.constant 0 : i32
    %while3A_38 = arith.constant 0 : i32
    %while3A_39 = arith.subi %select_n3A_37, %while3A_38 : i32
    %while3A_40 = arith.addi %while3A_38, %while3A_39 : i32
    %while3A_41 = arith.constant 1 : i32
    %while3A_42 = arith.divsi %while3A_39, %while3A_41 : i32
    %while3A_43 = arith.muli %while3A_42, %while3A_41 : i32
    %while3A_44 = arith.addi %while3A_38, %while3A_43 : i32
    %while3A_45 = arith.constant 1 : i32
    scf.for %while3A_55 = %while3A_38 to %while3A_44 step %while3A_45  : i32 {
      %mul3A_56 = arith.constant 2 : i32
      %mul3A_57 = arith.muli %mul3A_56, %while3A_55 : i32
      %add3A_58 = arith.constant 0 : i32
      %add3A_59 = arith.addi %mul3A_57, %add3A_58 : i32
      %dma_wait3A = arith.constant 0 : i32
      %dma_wait3A_60 = arith.constant 0 : i32
      %dma_wait3A_61 = tpu.memref_slice %arg2[%dma_wait3A, %dma_wait3A_60] : memref<10000x128xf32, #tpu.memory_space<hbm>> -> memref<10000x128xf32, #tpu.memory_space<hbm>>
      tpu.wait_indirect_dma semaphore(%arg14 : memref<!tpu.dma_semaphore, #tpu.memory_space<semaphore_mem>>) src(%dma_wait3A_61 : memref<10000x128xf32, #tpu.memory_space<hbm>>) dst(%arg9 : memref<128x128xf32, #tpu.memory_space<vmem>>)
      "tpu.region"() ({
        %run_scoped3A = tpu.sem_alloc : memref<!tpu.dma_semaphore, #tpu.memory_space<semaphore_mem>>
        %dma_start3A = arith.constant 0 : i32
        %dma_start3A_80 = arith.constant 0 : i32
        %dma_start3A_81 = tpu.memref_slice %arg13[%dma_start3A, %dma_start3A_80] : memref<10240x128xf32, #tpu.memory_space<vmem_shared>> -> memref<10240x128xf32, #tpu.memory_space<vmem_shared>>
        tpu.enqueue_indirect_dma source(%arg9 : memref<128x128xf32, #tpu.memory_space<vmem>>) target(%dma_start3A_81 : memref<10240x128xf32, #tpu.memory_space<vmem_shared>>) offsets(%arg8 : memref<128xi32, #tpu.memory_space<vmem>>) semaphore(%run_scoped3A : memref<!tpu.dma_semaphore, #tpu.memory_space<semaphore_mem>>) {add = true}
        %dma_wait3A_82 = arith.constant 0 : i32
        %dma_wait3A_83 = arith.constant 0 : i32
        %dma_wait3A_84 = tpu.memref_slice %arg13[%dma_wait3A_82, %dma_wait3A_83] : memref<10240x128xf32, #tpu.memory_space<vmem_shared>> -> memref<10240x128xf32, #tpu.memory_space<vmem_shared>>
        tpu.wait_indirect_dma semaphore(%run_scoped3A : memref<!tpu.dma_semaphore, #tpu.memory_space<semaphore_mem>>) src(%arg9 : memref<128x128xf32, #tpu.memory_space<vmem>>) dst(%dma_wait3A_84 : memref<10240x128xf32, #tpu.memory_space<vmem_shared>>)
        tpu.yield
      }) : () -> ()
      %add3A_62 = arith.constant 2 : i32
      %add3A_63 = arith.addi %add3A_59, %add3A_62 : i32
      %lt3A = arith.cmpi slt, %add3A_63, %select_n3A : i32
      %convert_element_type3A_64 = arith.extui %lt3A : i1 to i32
      %cond3A_65 = arith.constant 0 : i32
      %cond3A_66 = arith.cmpi ne, %convert_element_type3A_64, %cond3A_65 : i32
      scf.if %cond3A_66 {
        %add3A_80 = arith.constant 2 : i32
        %add3A_81 = arith.addi %add3A_59, %add3A_80 : i32
        %mul3A_82 = arith.constant 128 : i32
        %mul3A_83 = arith.muli %add3A_81, %mul3A_82 : i32
        %add3A_84 = arith.addi %mul3A_12, %mul3A_83 : i32
        "tpu.region"() ({
          %run_scoped3A = tpu.sem_alloc : memref<!tpu.dma_semaphore, #tpu.memory_space<semaphore_mem>>
          %dma_start3A_87 = tpu.memref_slice %arg3[%add3A_84] : memref<323584xi32, #tpu.memory_space<hbm>> -> memref<128xi32, #tpu.memory_space<hbm>>
          %dma_start3A_88 = tpu.memref_slice %arg3[%add3A_84] : memref<323584xi32, #tpu.memory_space<hbm>> -> memref<128xi32, #tpu.memory_space<hbm>>
          tpu.enqueue_dma source(%dma_start3A_88 : memref<128xi32, #tpu.memory_space<hbm>>) target(%arg7 : memref<128xi32, #tpu.memory_space<vmem>>) target_semaphore(%run_scoped3A : memref<!tpu.dma_semaphore, #tpu.memory_space<semaphore_mem>>)
          %dma_wait3A_89 = tpu.memref_slice %arg3[%add3A_84] : memref<323584xi32, #tpu.memory_space<hbm>> -> memref<128xi32, #tpu.memory_space<hbm>>
          %dma_wait3A_90 = tpu.memref_slice %arg3[%add3A_84] : memref<323584xi32, #tpu.memory_space<hbm>> -> memref<128xi32, #tpu.memory_space<hbm>>
          tpu.wait_dma2 semaphore(%run_scoped3A : memref<!tpu.dma_semaphore, #tpu.memory_space<semaphore_mem>>) src(%dma_wait3A_90 : memref<128xi32, #tpu.memory_space<hbm>>) dst(%arg7 : memref<128xi32, #tpu.memory_space<vmem>>)
          tpu.yield
        }) : () -> ()
        "tpu.region"() ({
          %run_scoped3A = tpu.sem_alloc : memref<!tpu.dma_semaphore, #tpu.memory_space<semaphore_mem>>
          %dma_start3A_87 = tpu.memref_slice %arg4[%add3A_84] : memref<323584xi32, #tpu.memory_space<hbm>> -> memref<128xi32, #tpu.memory_space<hbm>>
          %dma_start3A_88 = tpu.memref_slice %arg4[%add3A_84] : memref<323584xi32, #tpu.memory_space<hbm>> -> memref<128xi32, #tpu.memory_space<hbm>>
          tpu.enqueue_dma source(%dma_start3A_88 : memref<128xi32, #tpu.memory_space<hbm>>) target(%arg8 : memref<128xi32, #tpu.memory_space<vmem>>) target_semaphore(%run_scoped3A : memref<!tpu.dma_semaphore, #tpu.memory_space<semaphore_mem>>)
          %dma_wait3A_89 = tpu.memref_slice %arg4[%add3A_84] : memref<323584xi32, #tpu.memory_space<hbm>> -> memref<128xi32, #tpu.memory_space<hbm>>
          %dma_wait3A_90 = tpu.memref_slice %arg4[%add3A_84] : memref<323584xi32, #tpu.memory_space<hbm>> -> memref<128xi32, #tpu.memory_space<hbm>>
          tpu.wait_dma2 semaphore(%run_scoped3A : memref<!tpu.dma_semaphore, #tpu.memory_space<semaphore_mem>>) src(%dma_wait3A_90 : memref<128xi32, #tpu.memory_space<hbm>>) dst(%arg8 : memref<128xi32, #tpu.memory_space<vmem>>)
          tpu.yield
        }) : () -> ()
        %dma_start3A = arith.constant 0 : i32
        %dma_start3A_85 = arith.constant 0 : i32
        %dma_start3A_86 = tpu.memref_slice %arg2[%dma_start3A, %dma_start3A_85] : memref<10000x128xf32, #tpu.memory_space<hbm>> -> memref<10000x128xf32, #tpu.memory_space<hbm>>
        tpu.enqueue_indirect_dma source(%dma_start3A_86 : memref<10000x128xf32, #tpu.memory_space<hbm>>) target(%arg9 : memref<128x128xf32, #tpu.memory_space<vmem>>) offsets(%arg7 : memref<128xi32, #tpu.memory_space<vmem>>) semaphore(%arg14 : memref<!tpu.dma_semaphore, #tpu.memory_space<semaphore_mem>>)
      } else {
      }
      %mul3A_67 = arith.constant 2 : i32
      %mul3A_68 = arith.muli %mul3A_67, %while3A_55 : i32
      %add3A_69 = arith.constant 1 : i32
      %add3A_70 = arith.addi %mul3A_68, %add3A_69 : i32
      %dma_wait3A_71 = arith.constant 0 : i32
      %dma_wait3A_72 = arith.constant 0 : i32
      %dma_wait3A_73 = tpu.memref_slice %arg2[%dma_wait3A_71, %dma_wait3A_72] : memref<10000x128xf32, #tpu.memory_space<hbm>> -> memref<10000x128xf32, #tpu.memory_space<hbm>>
      tpu.wait_indirect_dma semaphore(%arg15 : memref<!tpu.dma_semaphore, #tpu.memory_space<semaphore_mem>>) src(%dma_wait3A_73 : memref<10000x128xf32, #tpu.memory_space<hbm>>) dst(%arg12 : memref<128x128xf32, #tpu.memory_space<vmem>>)
      "tpu.region"() ({
        %run_scoped3A = tpu.sem_alloc : memref<!tpu.dma_semaphore, #tpu.memory_space<semaphore_mem>>
        %dma_start3A = arith.constant 0 : i32
        %dma_start3A_80 = arith.constant 0 : i32
        %dma_start3A_81 = tpu.memref_slice %arg13[%dma_start3A, %dma_start3A_80] : memref<10240x128xf32, #tpu.memory_space<vmem_shared>> -> memref<10240x128xf32, #tpu.memory_space<vmem_shared>>
        tpu.enqueue_indirect_dma source(%arg12 : memref<128x128xf32, #tpu.memory_space<vmem>>) target(%dma_start3A_81 : memref<10240x128xf32, #tpu.memory_space<vmem_shared>>) offsets(%arg11 : memref<128xi32, #tpu.memory_space<vmem>>) semaphore(%run_scoped3A : memref<!tpu.dma_semaphore, #tpu.memory_space<semaphore_mem>>) {add = true}
        %dma_wait3A_82 = arith.constant 0 : i32
        %dma_wait3A_83 = arith.constant 0 : i32
        %dma_wait3A_84 = tpu.memref_slice %arg13[%dma_wait3A_82, %dma_wait3A_83] : memref<10240x128xf32, #tpu.memory_space<vmem_shared>> -> memref<10240x128xf32, #tpu.memory_space<vmem_shared>>
        tpu.wait_indirect_dma semaphore(%run_scoped3A : memref<!tpu.dma_semaphore, #tpu.memory_space<semaphore_mem>>) src(%arg12 : memref<128x128xf32, #tpu.memory_space<vmem>>) dst(%dma_wait3A_84 : memref<10240x128xf32, #tpu.memory_space<vmem_shared>>)
        tpu.yield
      }) : () -> ()
      %add3A_74 = arith.constant 2 : i32
      %add3A_75 = arith.addi %add3A_70, %add3A_74 : i32
      %lt3A_76 = arith.cmpi slt, %add3A_75, %select_n3A : i32
      %convert_element_type3A_77 = arith.extui %lt3A_76 : i1 to i32
      %cond3A_78 = arith.constant 0 : i32
      %cond3A_79 = arith.cmpi ne, %convert_element_type3A_77, %cond3A_78 : i32
      scf.if %cond3A_79 {
        %add3A_80 = arith.constant 2 : i32
        %add3A_81 = arith.addi %add3A_70, %add3A_80 : i32
        %mul3A_82 = arith.constant 128 : i32
        %mul3A_83 = arith.muli %add3A_81, %mul3A_82 : i32
        %add3A_84 = arith.addi %mul3A_12, %mul3A_83 : i32
        "tpu.region"() ({
          %run_scoped3A = tpu.sem_alloc : memref<!tpu.dma_semaphore, #tpu.memory_space<semaphore_mem>>
          %dma_start3A_87 = tpu.memref_slice %arg3[%add3A_84] : memref<323584xi32, #tpu.memory_space<hbm>> -> memref<128xi32, #tpu.memory_space<hbm>>
          %dma_start3A_88 = tpu.memref_slice %arg3[%add3A_84] : memref<323584xi32, #tpu.memory_space<hbm>> -> memref<128xi32, #tpu.memory_space<hbm>>
          tpu.enqueue_dma source(%dma_start3A_88 : memref<128xi32, #tpu.memory_space<hbm>>) target(%arg10 : memref<128xi32, #tpu.memory_space<vmem>>) target_semaphore(%run_scoped3A : memref<!tpu.dma_semaphore, #tpu.memory_space<semaphore_mem>>)
          %dma_wait3A_89 = tpu.memref_slice %arg3[%add3A_84] : memref<323584xi32, #tpu.memory_space<hbm>> -> memref<128xi32, #tpu.memory_space<hbm>>
          %dma_wait3A_90 = tpu.memref_slice %arg3[%add3A_84] : memref<323584xi32, #tpu.memory_space<hbm>> -> memref<128xi32, #tpu.memory_space<hbm>>
          tpu.wait_dma2 semaphore(%run_scoped3A : memref<!tpu.dma_semaphore, #tpu.memory_space<semaphore_mem>>) src(%dma_wait3A_90 : memref<128xi32, #tpu.memory_space<hbm>>) dst(%arg10 : memref<128xi32, #tpu.memory_space<vmem>>)
          tpu.yield
        }) : () -> ()
        "tpu.region"() ({
          %run_scoped3A = tpu.sem_alloc : memref<!tpu.dma_semaphore, #tpu.memory_space<semaphore_mem>>
          %dma_start3A_87 = tpu.memref_slice %arg4[%add3A_84] : memref<323584xi32, #tpu.memory_space<hbm>> -> memref<128xi32, #tpu.memory_space<hbm>>
          %dma_start3A_88 = tpu.memref_slice %arg4[%add3A_84] : memref<323584xi32, #tpu.memory_space<hbm>> -> memref<128xi32, #tpu.memory_space<hbm>>
          tpu.enqueue_dma source(%dma_start3A_88 : memref<128xi32, #tpu.memory_space<hbm>>) target(%arg11 : memref<128xi32, #tpu.memory_space<vmem>>) target_semaphore(%run_scoped3A : memref<!tpu.dma_semaphore, #tpu.memory_space<semaphore_mem>>)
          %dma_wait3A_89 = tpu.memref_slice %arg4[%add3A_84] : memref<323584xi32, #tpu.memory_space<hbm>> -> memref<128xi32, #tpu.memory_space<hbm>>
          %dma_wait3A_90 = tpu.memref_slice %arg4[%add3A_84] : memref<323584xi32, #tpu.memory_space<hbm>> -> memref<128xi32, #tpu.memory_space<hbm>>
          tpu.wait_dma2 semaphore(%run_scoped3A : memref<!tpu.dma_semaphore, #tpu.memory_space<semaphore_mem>>) src(%dma_wait3A_90 : memref<128xi32, #tpu.memory_space<hbm>>) dst(%arg11 : memref<128xi32, #tpu.memory_space<vmem>>)
          tpu.yield
        }) : () -> ()
        %dma_start3A = arith.constant 0 : i32
        %dma_start3A_85 = arith.constant 0 : i32
        %dma_start3A_86 = tpu.memref_slice %arg2[%dma_start3A, %dma_start3A_85] : memref<10000x128xf32, #tpu.memory_space<hbm>> -> memref<10000x128xf32, #tpu.memory_space<hbm>>
        tpu.enqueue_indirect_dma source(%dma_start3A_86 : memref<10000x128xf32, #tpu.memory_space<hbm>>) target(%arg12 : memref<128x128xf32, #tpu.memory_space<vmem>>) offsets(%arg10 : memref<128xi32, #tpu.memory_space<vmem>>) semaphore(%arg15 : memref<!tpu.dma_semaphore, #tpu.memory_space<semaphore_mem>>)
      } else {
      }
    }
    %while3A_46 = arith.constant 1 : i32
    scf.for %while3A_55 = %while3A_44 to %while3A_40 step %while3A_46  : i32 {
      %mul3A_56 = arith.constant 2 : i32
      %mul3A_57 = arith.muli %mul3A_56, %while3A_55 : i32
      %add3A_58 = arith.constant 0 : i32
      %add3A_59 = arith.addi %mul3A_57, %add3A_58 : i32
      %dma_wait3A = arith.constant 0 : i32
      %dma_wait3A_60 = arith.constant 0 : i32
      %dma_wait3A_61 = tpu.memref_slice %arg2[%dma_wait3A, %dma_wait3A_60] : memref<10000x128xf32, #tpu.memory_space<hbm>> -> memref<10000x128xf32, #tpu.memory_space<hbm>>
      tpu.wait_indirect_dma semaphore(%arg14 : memref<!tpu.dma_semaphore, #tpu.memory_space<semaphore_mem>>) src(%dma_wait3A_61 : memref<10000x128xf32, #tpu.memory_space<hbm>>) dst(%arg9 : memref<128x128xf32, #tpu.memory_space<vmem>>)
      "tpu.region"() ({
        %run_scoped3A = tpu.sem_alloc : memref<!tpu.dma_semaphore, #tpu.memory_space<semaphore_mem>>
        %dma_start3A = arith.constant 0 : i32
        %dma_start3A_80 = arith.constant 0 : i32
        %dma_start3A_81 = tpu.memref_slice %arg13[%dma_start3A, %dma_start3A_80] : memref<10240x128xf32, #tpu.memory_space<vmem_shared>> -> memref<10240x128xf32, #tpu.memory_space<vmem_shared>>
        tpu.enqueue_indirect_dma source(%arg9 : memref<128x128xf32, #tpu.memory_space<vmem>>) target(%dma_start3A_81 : memref<10240x128xf32, #tpu.memory_space<vmem_shared>>) offsets(%arg8 : memref<128xi32, #tpu.memory_space<vmem>>) semaphore(%run_scoped3A : memref<!tpu.dma_semaphore, #tpu.memory_space<semaphore_mem>>) {add = true}
        %dma_wait3A_82 = arith.constant 0 : i32
        %dma_wait3A_83 = arith.constant 0 : i32
        %dma_wait3A_84 = tpu.memref_slice %arg13[%dma_wait3A_82, %dma_wait3A_83] : memref<10240x128xf32, #tpu.memory_space<vmem_shared>> -> memref<10240x128xf32, #tpu.memory_space<vmem_shared>>
        tpu.wait_indirect_dma semaphore(%run_scoped3A : memref<!tpu.dma_semaphore, #tpu.memory_space<semaphore_mem>>) src(%arg9 : memref<128x128xf32, #tpu.memory_space<vmem>>) dst(%dma_wait3A_84 : memref<10240x128xf32, #tpu.memory_space<vmem_shared>>)
        tpu.yield
      }) : () -> ()
      %add3A_62 = arith.constant 2 : i32
      %add3A_63 = arith.addi %add3A_59, %add3A_62 : i32
      %lt3A = arith.cmpi slt, %add3A_63, %select_n3A : i32
      %convert_element_type3A_64 = arith.extui %lt3A : i1 to i32
      %cond3A_65 = arith.constant 0 : i32
      %cond3A_66 = arith.cmpi ne, %convert_element_type3A_64, %cond3A_65 : i32
      scf.if %cond3A_66 {
        %add3A_80 = arith.constant 2 : i32
        %add3A_81 = arith.addi %add3A_59, %add3A_80 : i32
        %mul3A_82 = arith.constant 128 : i32
        %mul3A_83 = arith.muli %add3A_81, %mul3A_82 : i32
        %add3A_84 = arith.addi %mul3A_12, %mul3A_83 : i32
        "tpu.region"() ({
          %run_scoped3A = tpu.sem_alloc : memref<!tpu.dma_semaphore, #tpu.memory_space<semaphore_mem>>
          %dma_start3A_87 = tpu.memref_slice %arg3[%add3A_84] : memref<323584xi32, #tpu.memory_space<hbm>> -> memref<128xi32, #tpu.memory_space<hbm>>
          %dma_start3A_88 = tpu.memref_slice %arg3[%add3A_84] : memref<323584xi32, #tpu.memory_space<hbm>> -> memref<128xi32, #tpu.memory_space<hbm>>
          tpu.enqueue_dma source(%dma_start3A_88 : memref<128xi32, #tpu.memory_space<hbm>>) target(%arg7 : memref<128xi32, #tpu.memory_space<vmem>>) target_semaphore(%run_scoped3A : memref<!tpu.dma_semaphore, #tpu.memory_space<semaphore_mem>>)
          %dma_wait3A_89 = tpu.memref_slice %arg3[%add3A_84] : memref<323584xi32, #tpu.memory_space<hbm>> -> memref<128xi32, #tpu.memory_space<hbm>>
          %dma_wait3A_90 = tpu.memref_slice %arg3[%add3A_84] : memref<323584xi32, #tpu.memory_space<hbm>> -> memref<128xi32, #tpu.memory_space<hbm>>
          tpu.wait_dma2 semaphore(%run_scoped3A : memref<!tpu.dma_semaphore, #tpu.memory_space<semaphore_mem>>) src(%dma_wait3A_90 : memref<128xi32, #tpu.memory_space<hbm>>) dst(%arg7 : memref<128xi32, #tpu.memory_space<vmem>>)
          tpu.yield
        }) : () -> ()
        "tpu.region"() ({
          %run_scoped3A = tpu.sem_alloc : memref<!tpu.dma_semaphore, #tpu.memory_space<semaphore_mem>>
          %dma_start3A_87 = tpu.memref_slice %arg4[%add3A_84] : memref<323584xi32, #tpu.memory_space<hbm>> -> memref<128xi32, #tpu.memory_space<hbm>>
          %dma_start3A_88 = tpu.memref_slice %arg4[%add3A_84] : memref<323584xi32, #tpu.memory_space<hbm>> -> memref<128xi32, #tpu.memory_space<hbm>>
          tpu.enqueue_dma source(%dma_start3A_88 : memref<128xi32, #tpu.memory_space<hbm>>) target(%arg8 : memref<128xi32, #tpu.memory_space<vmem>>) target_semaphore(%run_scoped3A : memref<!tpu.dma_semaphore, #tpu.memory_space<semaphore_mem>>)
          %dma_wait3A_89 = tpu.memref_slice %arg4[%add3A_84] : memref<323584xi32, #tpu.memory_space<hbm>> -> memref<128xi32, #tpu.memory_space<hbm>>
          %dma_wait3A_90 = tpu.memref_slice %arg4[%add3A_84] : memref<323584xi32, #tpu.memory_space<hbm>> -> memref<128xi32, #tpu.memory_space<hbm>>
          tpu.wait_dma2 semaphore(%run_scoped3A : memref<!tpu.dma_semaphore, #tpu.memory_space<semaphore_mem>>) src(%dma_wait3A_90 : memref<128xi32, #tpu.memory_space<hbm>>) dst(%arg8 : memref<128xi32, #tpu.memory_space<vmem>>)
          tpu.yield
        }) : () -> ()
        %dma_start3A = arith.constant 0 : i32
        %dma_start3A_85 = arith.constant 0 : i32
        %dma_start3A_86 = tpu.memref_slice %arg2[%dma_start3A, %dma_start3A_85] : memref<10000x128xf32, #tpu.memory_space<hbm>> -> memref<10000x128xf32, #tpu.memory_space<hbm>>
        tpu.enqueue_indirect_dma source(%dma_start3A_86 : memref<10000x128xf32, #tpu.memory_space<hbm>>) target(%arg9 : memref<128x128xf32, #tpu.memory_space<vmem>>) offsets(%arg7 : memref<128xi32, #tpu.memory_space<vmem>>) semaphore(%arg14 : memref<!tpu.dma_semaphore, #tpu.memory_space<semaphore_mem>>)
      } else {
      }
      %mul3A_67 = arith.constant 2 : i32
      %mul3A_68 = arith.muli %mul3A_67, %while3A_55 : i32
      %add3A_69 = arith.constant 1 : i32
      %add3A_70 = arith.addi %mul3A_68, %add3A_69 : i32
      %dma_wait3A_71 = arith.constant 0 : i32
      %dma_wait3A_72 = arith.constant 0 : i32
      %dma_wait3A_73 = tpu.memref_slice %arg2[%dma_wait3A_71, %dma_wait3A_72] : memref<10000x128xf32, #tpu.memory_space<hbm>> -> memref<10000x128xf32, #tpu.memory_space<hbm>>
      tpu.wait_indirect_dma semaphore(%arg15 : memref<!tpu.dma_semaphore, #tpu.memory_space<semaphore_mem>>) src(%dma_wait3A_73 : memref<10000x128xf32, #tpu.memory_space<hbm>>) dst(%arg12 : memref<128x128xf32, #tpu.memory_space<vmem>>)
      "tpu.region"() ({
        %run_scoped3A = tpu.sem_alloc : memref<!tpu.dma_semaphore, #tpu.memory_space<semaphore_mem>>
        %dma_start3A = arith.constant 0 : i32
        %dma_start3A_80 = arith.constant 0 : i32
        %dma_start3A_81 = tpu.memref_slice %arg13[%dma_start3A, %dma_start3A_80] : memref<10240x128xf32, #tpu.memory_space<vmem_shared>> -> memref<10240x128xf32, #tpu.memory_space<vmem_shared>>
        tpu.enqueue_indirect_dma source(%arg12 : memref<128x128xf32, #tpu.memory_space<vmem>>) target(%dma_start3A_81 : memref<10240x128xf32, #tpu.memory_space<vmem_shared>>) offsets(%arg11 : memref<128xi32, #tpu.memory_space<vmem>>) semaphore(%run_scoped3A : memref<!tpu.dma_semaphore, #tpu.memory_space<semaphore_mem>>) {add = true}
        %dma_wait3A_82 = arith.constant 0 : i32
        %dma_wait3A_83 = arith.constant 0 : i32
        %dma_wait3A_84 = tpu.memref_slice %arg13[%dma_wait3A_82, %dma_wait3A_83] : memref<10240x128xf32, #tpu.memory_space<vmem_shared>> -> memref<10240x128xf32, #tpu.memory_space<vmem_shared>>
        tpu.wait_indirect_dma semaphore(%run_scoped3A : memref<!tpu.dma_semaphore, #tpu.memory_space<semaphore_mem>>) src(%arg12 : memref<128x128xf32, #tpu.memory_space<vmem>>) dst(%dma_wait3A_84 : memref<10240x128xf32, #tpu.memory_space<vmem_shared>>)
        tpu.yield
      }) : () -> ()
      %add3A_74 = arith.constant 2 : i32
      %add3A_75 = arith.addi %add3A_70, %add3A_74 : i32
      %lt3A_76 = arith.cmpi slt, %add3A_75, %select_n3A : i32
      %convert_element_type3A_77 = arith.extui %lt3A_76 : i1 to i32
      %cond3A_78 = arith.constant 0 : i32
      %cond3A_79 = arith.cmpi ne, %convert_element_type3A_77, %cond3A_78 : i32
      scf.if %cond3A_79 {
        %add3A_80 = arith.constant 2 : i32
        %add3A_81 = arith.addi %add3A_70, %add3A_80 : i32
        %mul3A_82 = arith.constant 128 : i32
        %mul3A_83 = arith.muli %add3A_81, %mul3A_82 : i32
        %add3A_84 = arith.addi %mul3A_12, %mul3A_83 : i32
        "tpu.region"() ({
          %run_scoped3A = tpu.sem_alloc : memref<!tpu.dma_semaphore, #tpu.memory_space<semaphore_mem>>
          %dma_start3A_87 = tpu.memref_slice %arg3[%add3A_84] : memref<323584xi32, #tpu.memory_space<hbm>> -> memref<128xi32, #tpu.memory_space<hbm>>
          %dma_start3A_88 = tpu.memref_slice %arg3[%add3A_84] : memref<323584xi32, #tpu.memory_space<hbm>> -> memref<128xi32, #tpu.memory_space<hbm>>
          tpu.enqueue_dma source(%dma_start3A_88 : memref<128xi32, #tpu.memory_space<hbm>>) target(%arg10 : memref<128xi32, #tpu.memory_space<vmem>>) target_semaphore(%run_scoped3A : memref<!tpu.dma_semaphore, #tpu.memory_space<semaphore_mem>>)
          %dma_wait3A_89 = tpu.memref_slice %arg3[%add3A_84] : memref<323584xi32, #tpu.memory_space<hbm>> -> memref<128xi32, #tpu.memory_space<hbm>>
          %dma_wait3A_90 = tpu.memref_slice %arg3[%add3A_84] : memref<323584xi32, #tpu.memory_space<hbm>> -> memref<128xi32, #tpu.memory_space<hbm>>
          tpu.wait_dma2 semaphore(%run_scoped3A : memref<!tpu.dma_semaphore, #tpu.memory_space<semaphore_mem>>) src(%dma_wait3A_90 : memref<128xi32, #tpu.memory_space<hbm>>) dst(%arg10 : memref<128xi32, #tpu.memory_space<vmem>>)
          tpu.yield
        }) : () -> ()
        "tpu.region"() ({
          %run_scoped3A = tpu.sem_alloc : memref<!tpu.dma_semaphore, #tpu.memory_space<semaphore_mem>>
          %dma_start3A_87 = tpu.memref_slice %arg4[%add3A_84] : memref<323584xi32, #tpu.memory_space<hbm>> -> memref<128xi32, #tpu.memory_space<hbm>>
          %dma_start3A_88 = tpu.memref_slice %arg4[%add3A_84] : memref<323584xi32, #tpu.memory_space<hbm>> -> memref<128xi32, #tpu.memory_space<hbm>>
          tpu.enqueue_dma source(%dma_start3A_88 : memref<128xi32, #tpu.memory_space<hbm>>) target(%arg11 : memref<128xi32, #tpu.memory_space<vmem>>) target_semaphore(%run_scoped3A : memref<!tpu.dma_semaphore, #tpu.memory_space<semaphore_mem>>)
          %dma_wait3A_89 = tpu.memref_slice %arg4[%add3A_84] : memref<323584xi32, #tpu.memory_space<hbm>> -> memref<128xi32, #tpu.memory_space<hbm>>
          %dma_wait3A_90 = tpu.memref_slice %arg4[%add3A_84] : memref<323584xi32, #tpu.memory_space<hbm>> -> memref<128xi32, #tpu.memory_space<hbm>>
          tpu.wait_dma2 semaphore(%run_scoped3A : memref<!tpu.dma_semaphore, #tpu.memory_space<semaphore_mem>>) src(%dma_wait3A_90 : memref<128xi32, #tpu.memory_space<hbm>>) dst(%arg11 : memref<128xi32, #tpu.memory_space<vmem>>)
          tpu.yield
        }) : () -> ()
        %dma_start3A = arith.constant 0 : i32
        %dma_start3A_85 = arith.constant 0 : i32
        %dma_start3A_86 = tpu.memref_slice %arg2[%dma_start3A, %dma_start3A_85] : memref<10000x128xf32, #tpu.memory_space<hbm>> -> memref<10000x128xf32, #tpu.memory_space<hbm>>
        tpu.enqueue_indirect_dma source(%dma_start3A_86 : memref<10000x128xf32, #tpu.memory_space<hbm>>) target(%arg12 : memref<128x128xf32, #tpu.memory_space<vmem>>) offsets(%arg10 : memref<128xi32, #tpu.memory_space<vmem>>) semaphore(%arg15 : memref<!tpu.dma_semaphore, #tpu.memory_space<semaphore_mem>>)
      } else {
      }
    }
    %barrier3A_47 = arith.constant 0 : index
    tpu.barrier barrier_id(%barrier3A_47)
    %mul3A_48 = arith.constant 640 : i32
    %mul3A_49 = arith.muli %arg1, %mul3A_48 : i32
    %mul3A_50 = arith.constant 10240 : i32
    %mul3A_51 = arith.muli %arg0, %mul3A_50 : i32
    %mul3A_52 = arith.constant 640 : i32
    %mul3A_53 = arith.muli %arg1, %mul3A_52 : i32
    %add3A_54 = arith.addi %mul3A_51, %mul3A_53 : i32
    "tpu.region"() ({
      %run_scoped3A = tpu.sem_alloc : memref<!tpu.dma_semaphore, #tpu.memory_space<semaphore_mem>>
      %dma_start3A = arith.constant 0 : i32
      %dma_start3A_55 = tpu.memref_slice %arg6[%add3A_54, %dma_start3A] : memref<20480x128xf32, #tpu.memory_space<hbm>> -> memref<640x128xf32, #tpu.memory_space<hbm>>
      %dma_start3A_56 = arith.constant 0 : i32
      %dma_start3A_57 = tpu.memref_slice %arg13[%mul3A_49, %dma_start3A_56] : memref<10240x128xf32, #tpu.memory_space<vmem_shared>> -> memref<640x128xf32, #tpu.memory_space<vmem_shared>>
      tpu.enqueue_dma source(%dma_start3A_57 : memref<640x128xf32, #tpu.memory_space<vmem_shared>>) target(%dma_start3A_55 : memref<640x128xf32, #tpu.memory_space<hbm>>) target_semaphore(%run_scoped3A : memref<!tpu.dma_semaphore, #tpu.memory_space<semaphore_mem>>)
      %dma_wait3A = arith.constant 0 : i32
      %dma_wait3A_58 = tpu.memref_slice %arg6[%add3A_54, %dma_wait3A] : memref<20480x128xf32, #tpu.memory_space<hbm>> -> memref<640x128xf32, #tpu.memory_space<hbm>>
      %dma_wait3A_59 = arith.constant 0 : i32
      %dma_wait3A_60 = tpu.memref_slice %arg13[%mul3A_49, %dma_wait3A_59] : memref<10240x128xf32, #tpu.memory_space<vmem_shared>> -> memref<640x128xf32, #tpu.memory_space<vmem_shared>>
      tpu.wait_dma2 semaphore(%run_scoped3A : memref<!tpu.dma_semaphore, #tpu.memory_space<semaphore_mem>>) src(%dma_wait3A_60 : memref<640x128xf32, #tpu.memory_space<vmem_shared>>) dst(%dma_wait3A_58 : memref<640x128xf32, #tpu.memory_space<hbm>>)
      tpu.yield
    }) : () -> ()
    return
  }
}

module attributes {stable_mosaic.version = 14 : i64} {
  func.func @_tc_conv_body(%arg0: i32, %arg1: memref<2000x128xf32, #tpu.memory_space<vmem>>, %arg2: memref<1x2000x128xf32, #tpu.memory_space<vmem>>, %arg3: memref<1x2000x128xf32, #tpu.memory_space<vmem>>, %arg4: memref<1x1x2000xi32, #tpu.memory_space<vmem>>, %arg5: memref<128x128xf32, #tpu.memory_space<vmem>>, %arg6: memref<1x128xf32, #tpu.memory_space<vmem>>, %arg7: memref<128x128xf32, #tpu.memory_space<vmem>>, %arg8: memref<1x128xf32, #tpu.memory_space<vmem>>, %arg9: memref<2000x128xf32, #tpu.memory_space<vmem>>, %arg10: memref<100x128xf32, #tpu.memory_space<vmem>>, %arg11: memref<100x1xf32, #tpu.memory_space<vmem>>) attributes {dimension_semantics = [#tpu.dimension_semantics<arbitrary>], iteration_bounds = array<i64: 5>, scalar_prefetch = 0 : i64, scratch_operands = 0 : i64, tpu.core_type = #tpu.core_type<tc>, window_params = [{transform_indices = @transform_0, window_bounds = array<i64: 2000, 128>}, {transform_indices = @transform_1, window_bounds = array<i64: 1, 2000, 128>}, {transform_indices = @transform_2, window_bounds = array<i64: 1, 2000, 128>}, {transform_indices = @transform_3, window_bounds = array<i64: 1, 1, 2000>}, {pipeline_mode = #tpu.pipeline_mode<synchronous>, transform_indices = @transform_4, window_bounds = array<i64: 128, 128>}, {pipeline_mode = #tpu.pipeline_mode<synchronous>, transform_indices = @transform_5, window_bounds = array<i64: 1, 128>}, {pipeline_mode = #tpu.pipeline_mode<synchronous>, transform_indices = @transform_6, window_bounds = array<i64: 128, 128>}, {pipeline_mode = #tpu.pipeline_mode<synchronous>, transform_indices = @transform_7, window_bounds = array<i64: 1, 128>}, {transform_indices = @transform_8, window_bounds = array<i64: 2000, 128>}, {pipeline_mode = #tpu.pipeline_mode<synchronous>, transform_indices = @transform_9, window_bounds = array<i64: 100, 128>}, {pipeline_mode = #tpu.pipeline_mode<synchronous>, transform_indices = @transform_10, window_bounds = array<i64: 100, 1>}]} {
    %get3A = arith.constant 0 : index
    %get3A_0 = arith.constant 0 : index
    %get3A_1 = vector.load %arg1[%get3A, %get3A_0] : memref<2000x128xf32, #tpu.memory_space<vmem>>, vector<2000x128xf32>
    %get3A_2 = arith.constant 0 : index
    %get3A_3 = arith.constant 0 : index
    %get3A_4 = arith.constant 0 : index
    %get3A_5 = vector.load %arg2[%get3A_2, %get3A_3, %get3A_4] : memref<1x2000x128xf32, #tpu.memory_space<vmem>>, vector<1x2000x128xf32>
    %get3A_6 = vector.shape_cast %get3A_5 : vector<1x2000x128xf32> to vector<2000x128xf32>
    %add3A = arith.addf %get3A_1, %get3A_6 : vector<2000x128xf32>
    %get3A_7 = arith.constant 0 : index
    %get3A_8 = arith.constant 0 : index
    %get3A_9 = arith.constant 0 : index
    %get3A_10 = vector.load %arg3[%get3A_7, %get3A_8, %get3A_9] : memref<1x2000x128xf32, #tpu.memory_space<vmem>>, vector<1x2000x128xf32>
    %get3A_11 = vector.shape_cast %get3A_10 : vector<1x2000x128xf32> to vector<2000x128xf32>
    %add3A_12 = arith.addf %add3A, %get3A_11 : vector<2000x128xf32>
    %get3A_13 = arith.constant 0 : index
    %get3A_14 = arith.constant 0 : index
    %get3A_15 = vector.load %arg5[%get3A_13, %get3A_14] : memref<128x128xf32, #tpu.memory_space<vmem>>, vector<128x128xf32>
    %dot_general3A = arith.constant dense<0.000000e+00> : vector<2000x128xf32>
    %dot_general3A_16 = tpu.matmul %add3A_12, %get3A_15, %dot_general3A {dimension_numbers = #tpu.dot_dimension_numbers<[1], [0], [0], [1], [0, 0, 1, 1], [], []>, precision = #tpu.contract_precision<fp32>, transpose_lhs_hint = false} : vector<2000x128xf32>, vector<128x128xf32>, vector<2000x128xf32> -> vector<2000x128xf32>
    %get3A_17 = arith.constant 0 : index
    %get3A_18 = arith.constant 0 : index
    %get3A_19 = vector.load %arg6[%get3A_17, %get3A_18] : memref<1x128xf32, #tpu.memory_space<vmem>>, vector<1x128xf32>
    %add3A_20 = vector.broadcast %get3A_19 : vector<1x128xf32> to vector<2000x128xf32>
    %add3A_21 = arith.addf %dot_general3A_16, %add3A_20 : vector<2000x128xf32>
    %max3A = arith.constant 0.000000e+00 : f32
    %max3A_22 = vector.broadcast %max3A : f32 to vector<2000x128xf32>
    %max3A_23 = arith.maximumf %add3A_21, %max3A_22 : vector<2000x128xf32>
    %get3A_24 = arith.constant 0 : index
    %get3A_25 = arith.constant 0 : index
    %get3A_26 = vector.load %arg7[%get3A_24, %get3A_25] : memref<128x128xf32, #tpu.memory_space<vmem>>, vector<128x128xf32>
    %dot_general3A_27 = arith.constant dense<0.000000e+00> : vector<2000x128xf32>
    %dot_general3A_28 = tpu.matmul %max3A_23, %get3A_26, %dot_general3A_27 {dimension_numbers = #tpu.dot_dimension_numbers<[1], [0], [0], [1], [0, 0, 1, 1], [], []>, precision = #tpu.contract_precision<fp32>, transpose_lhs_hint = false} : vector<2000x128xf32>, vector<128x128xf32>, vector<2000x128xf32> -> vector<2000x128xf32>
    %get3A_29 = arith.constant 0 : index
    %get3A_30 = arith.constant 0 : index
    %get3A_31 = vector.load %arg8[%get3A_29, %get3A_30] : memref<1x128xf32, #tpu.memory_space<vmem>>, vector<1x128xf32>
    %add3A_32 = vector.broadcast %get3A_31 : vector<1x128xf32> to vector<2000x128xf32>
    %add3A_33 = arith.addf %dot_general3A_28, %add3A_32 : vector<2000x128xf32>
    %max3A_34 = arith.constant 0.000000e+00 : f32
    %max3A_35 = vector.broadcast %max3A_34 : f32 to vector<2000x128xf32>
    %max3A_36 = arith.maximumf %add3A_33, %max3A_35 : vector<2000x128xf32>
    %swap3A = arith.constant 0 : index
    %swap3A_37 = arith.constant 0 : index
    %swap3A_38 = vector.load %arg9[%swap3A, %swap3A_37] : memref<2000x128xf32, #tpu.memory_space<vmem>>, vector<2000x128xf32>
    tpu.vector_store %arg9[%swap3A, %swap3A_37], %max3A_36 {strides = array<i32>} : memref<2000x128xf32, #tpu.memory_space<vmem>>, vector<2000x128xf32>,
    %get3A_39 = arith.constant 0 : index
    %get3A_40 = arith.constant 0 : index
    %get3A_41 = arith.constant 0 : index
    %get3A_42 = vector.load %arg4[%get3A_39, %get3A_40, %get3A_41] : memref<1x1x2000xi32, #tpu.memory_space<vmem>>, vector<1x1x2000xi32>
    %get3A_43 = vector.shape_cast %get3A_42 : vector<1x1x2000xi32> to vector<2000xi32>
    %iota3A = tpu.iota {dimensions = array<i32: 0>} : vector<100x2000xi32>
    %broadcast_in_dim3A = vector.shape_cast %get3A_43 : vector<2000xi32> to vector<1x2000xi32>
    %eq3A = vector.broadcast %broadcast_in_dim3A : vector<1x2000xi32> to vector<100x2000xi32>
    %eq3A_44 = arith.cmpi eq, %iota3A, %eq3A : vector<100x2000xi32>
    %convert_element_type3A = arith.extui %eq3A_44 : vector<100x2000xi1> to vector<100x2000xi32>
    %convert_element_type3A_45 = arith.sitofp %convert_element_type3A : vector<100x2000xi32> to vector<100x2000xf32>
    %eq3A_46 = arith.constant 0 : i32
    %eq3A_47 = arith.cmpi eq, %arg0, %eq3A_46 : i32
    %convert_element_type3A_48 = arith.extui %eq3A_47 : i1 to i32
    %cond3A = arith.constant 0 : i32
    %cond3A_49 = arith.cmpi ne, %convert_element_type3A_48, %cond3A : i32
    scf.if %cond3A_49 {
      %broadcast_in_dim3A_68 = arith.constant 0.000000e+00 : f32
      %broadcast_in_dim3A_69 = vector.broadcast %broadcast_in_dim3A_68 : f32 to vector<100x128xf32>
      %swap3A_70 = arith.constant 0 : index
      %swap3A_71 = arith.constant 0 : index
      %swap3A_72 = vector.load %arg10[%swap3A_70, %swap3A_71] : memref<100x128xf32, #tpu.memory_space<vmem>>, vector<100x128xf32>
      tpu.vector_store %arg10[%swap3A_70, %swap3A_71], %broadcast_in_dim3A_69 {strides = array<i32>} : memref<100x128xf32, #tpu.memory_space<vmem>>, vector<100x128xf32>,
      %broadcast_in_dim3A_73 = arith.constant 0.000000e+00 : f32
      %broadcast_in_dim3A_74 = vector.broadcast %broadcast_in_dim3A_73 : f32 to vector<100x1xf32>
      %swap3A_75 = arith.constant 0 : index
      %swap3A_76 = arith.constant 0 : index
      %swap3A_77 = vector.load %arg11[%swap3A_75, %swap3A_76] : memref<100x1xf32, #tpu.memory_space<vmem>>, vector<100x1xf32>
      tpu.vector_store %arg11[%swap3A_75, %swap3A_76], %broadcast_in_dim3A_74 {strides = array<i32>} : memref<100x1xf32, #tpu.memory_space<vmem>>, vector<100x1xf32>,
    } else {
    }
    %get3A_50 = arith.constant 0 : index
    %get3A_51 = arith.constant 0 : index
    %get3A_52 = vector.load %arg10[%get3A_50, %get3A_51] : memref<100x128xf32, #tpu.memory_space<vmem>>, vector<100x128xf32>
    %dot_general3A_53 = arith.constant dense<0.000000e+00> : vector<100x128xf32>
    %dot_general3A_54 = tpu.matmul %convert_element_type3A_45, %max3A_36, %dot_general3A_53 {dimension_numbers = #tpu.dot_dimension_numbers<[1], [0], [0], [1], [0, 0, 1, 1], [], []>, precision = #tpu.contract_precision<fp32>, transpose_lhs_hint = false} : vector<100x2000xf32>, vector<2000x128xf32>, vector<100x128xf32> -> vector<100x128xf32>
    %add3A_55 = arith.addf %get3A_52, %dot_general3A_54 : vector<100x128xf32>
    %swap3A_56 = arith.constant 0 : index
    %swap3A_57 = arith.constant 0 : index
    %swap3A_58 = vector.load %arg10[%swap3A_56, %swap3A_57] : memref<100x128xf32, #tpu.memory_space<vmem>>, vector<100x128xf32>
    tpu.vector_store %arg10[%swap3A_56, %swap3A_57], %add3A_55 {strides = array<i32>} : memref<100x128xf32, #tpu.memory_space<vmem>>, vector<100x128xf32>,
    %get3A_59 = arith.constant 0 : index
    %get3A_60 = arith.constant 0 : index
    %get3A_61 = vector.load %arg11[%get3A_59, %get3A_60] : memref<100x1xf32, #tpu.memory_space<vmem>>, vector<100x1xf32>
    %reduce_sum3A = arith.constant dense<0.000000e+00> : vector<100xf32>
    %reduce_sum3A_62 = vector.multi_reduction <add>, %convert_element_type3A_45, %reduce_sum3A [1] : vector<100x2000xf32> to vector<100xf32>
    %broadcast_in_dim3A_63 = vector.shape_cast %reduce_sum3A_62 : vector<100xf32> to vector<100x1xf32>
    %add3A_64 = arith.addf %get3A_61, %broadcast_in_dim3A_63 : vector<100x1xf32>
    %swap3A_65 = arith.constant 0 : index
    %swap3A_66 = arith.constant 0 : index
    %swap3A_67 = vector.load %arg11[%swap3A_65, %swap3A_66] : memref<100x1xf32, #tpu.memory_space<vmem>>, vector<100x1xf32>
    tpu.vector_store %arg11[%swap3A_65, %swap3A_66], %add3A_64 {strides = array<i32>} : memref<100x1xf32, #tpu.memory_space<vmem>>, vector<100x1xf32>,
    return
  }
  func.func @transform_0(%arg0: i32) -> (i32, i32) {
    %c0_i32 = arith.constant 0 : i32
    %c0_i32_0 = arith.constant 0 : i32
    return %arg0, %c0_i32 : i32, i32
  }
  func.func @transform_1(%arg0: i32) -> (i32, i32, i32) {
    %c0_i32 = arith.constant 0 : i32
    %c0_i32_0 = arith.constant 0 : i32
    %c0_i32_1 = arith.constant 0 : i32
    return %c0_i32, %arg0, %c0_i32_0 : i32, i32, i32
  }
  func.func @transform_2(%arg0: i32) -> (i32, i32, i32) {
    %c1_i32 = arith.constant 1 : i32
    %c0_i32 = arith.constant 0 : i32
    %c0_i32_0 = arith.constant 0 : i32
    return %c1_i32, %arg0, %c0_i32 : i32, i32, i32
  }
  func.func @transform_3(%arg0: i32) -> (i32, i32, i32) {
    %c0_i32 = arith.constant 0 : i32
    %c0_i32_0 = arith.constant 0 : i32
    %c0_i32_1 = arith.constant 0 : i32
    return %arg0, %c0_i32, %c0_i32_0 : i32, i32, i32
  }
  func.func @transform_4(%arg0: i32) -> (i32, i32) {
    %c0_i32 = arith.constant 0 : i32
    %c0_i32_0 = arith.constant 0 : i32
    %c0_i32_1 = arith.constant 0 : i32
    return %c0_i32, %c0_i32_0 : i32, i32
  }
  func.func @transform_5(%arg0: i32) -> (i32, i32) {
    %c0_i32 = arith.constant 0 : i32
    %c0_i32_0 = arith.constant 0 : i32
    %c0_i32_1 = arith.constant 0 : i32
    return %c0_i32, %c0_i32_0 : i32, i32
  }
  func.func @transform_6(%arg0: i32) -> (i32, i32) {
    %c0_i32 = arith.constant 0 : i32
    %c0_i32_0 = arith.constant 0 : i32
    %c0_i32_1 = arith.constant 0 : i32
    return %c0_i32, %c0_i32_0 : i32, i32
  }
  func.func @transform_7(%arg0: i32) -> (i32, i32) {
    %c0_i32 = arith.constant 0 : i32
    %c0_i32_0 = arith.constant 0 : i32
    %c0_i32_1 = arith.constant 0 : i32
    return %c0_i32, %c0_i32_0 : i32, i32
  }
  func.func @transform_8(%arg0: i32) -> (i32, i32) {
    %c0_i32 = arith.constant 0 : i32
    %c0_i32_0 = arith.constant 0 : i32
    return %arg0, %c0_i32 : i32, i32
  }
  func.func @transform_9(%arg0: i32) -> (i32, i32) {
    %c0_i32 = arith.constant 0 : i32
    %c0_i32_0 = arith.constant 0 : i32
    %c0_i32_1 = arith.constant 0 : i32
    return %c0_i32, %c0_i32_0 : i32, i32
  }
  func.func @transform_10(%arg0: i32) -> (i32, i32) {
    %c0_i32 = arith.constant 0 : i32
    %c0_i32_0 = arith.constant 0 : i32
    %c0_i32_1 = arith.constant 0 : i32
    return %c0_i32, %c0_i32_0 : i32, i32
  }
}

module attributes {stable_mosaic.version = 14 : i64} {
  func.func @_tc_head_body(%arg0: memref<100x128xf32, #tpu.memory_space<vmem>>, %arg1: memref<100x128xf32, #tpu.memory_space<vmem>>, %arg2: memref<100x1xf32, #tpu.memory_space<vmem>>, %arg3: memref<100x16xf32, #tpu.memory_space<vmem>>, %arg4: memref<128x256xf32, #tpu.memory_space<vmem>>, %arg5: memref<16x256xf32, #tpu.memory_space<vmem>>, %arg6: memref<1x256xf32, #tpu.memory_space<vmem>>, %arg7: memref<256x128xf32, #tpu.memory_space<vmem>>, %arg8: memref<1x128xf32, #tpu.memory_space<vmem>>, %arg9: memref<128x128xf32, #tpu.memory_space<vmem>>, %arg10: memref<1x128xf32, #tpu.memory_space<vmem>>, %arg11: memref<128x64xf32, #tpu.memory_space<vmem>>, %arg12: memref<1x64xf32, #tpu.memory_space<vmem>>, %arg13: memref<64x64xf32, #tpu.memory_space<vmem>>, %arg14: memref<1x64xf32, #tpu.memory_space<vmem>>, %arg15: memref<64x32xf32, #tpu.memory_space<vmem>>, %arg16: memref<1x32xf32, #tpu.memory_space<vmem>>, %arg17: memref<32x1xf32, #tpu.memory_space<vmem>>, %arg18: memref<1x1xf32, #tpu.memory_space<vmem>>, %arg19: memref<100x1xf32, #tpu.memory_space<vmem>>) attributes {dimension_semantics = [], scalar_prefetch = 0 : i64, scratch_operands = 0 : i64, tpu.core_type = #tpu.core_type<tc>} {
    %get3A = arith.constant 0 : index
    %get3A_0 = arith.constant 0 : index
    %get3A_1 = vector.load %arg2[%get3A, %get3A_0] : memref<100x1xf32, #tpu.memory_space<vmem>>, vector<100x1xf32>
    %max3A = arith.constant 1.000000e+00 : f32
    %max3A_2 = vector.broadcast %max3A : f32 to vector<100x1xf32>
    %max3A_3 = arith.maximumf %get3A_1, %max3A_2 : vector<100x1xf32>
    %get3A_4 = arith.constant 0 : index
    %get3A_5 = arith.constant 0 : index
    %get3A_6 = vector.load %arg0[%get3A_4, %get3A_5] : memref<100x128xf32, #tpu.memory_space<vmem>>, vector<100x128xf32>
    %get3A_7 = arith.constant 0 : index
    %get3A_8 = arith.constant 0 : index
    %get3A_9 = vector.load %arg1[%get3A_7, %get3A_8] : memref<100x128xf32, #tpu.memory_space<vmem>>, vector<100x128xf32>
    %mul3A = arith.constant 2.000000e+00 : f32
    %mul3A_10 = vector.broadcast %mul3A : f32 to vector<100x128xf32>
    %mul3A_11 = arith.mulf %mul3A_10, %get3A_9 : vector<100x128xf32>
    %add3A = arith.addf %get3A_6, %mul3A_11 : vector<100x128xf32>
    %div3A = vector.broadcast %max3A_3 : vector<100x1xf32> to vector<100x128xf32>
    %div3A_12 = arith.divf %add3A, %div3A : vector<100x128xf32>
    %get3A_13 = arith.constant 0 : index
    %get3A_14 = arith.constant 0 : index
    %get3A_15 = vector.load %arg4[%get3A_13, %get3A_14] : memref<128x256xf32, #tpu.memory_space<vmem>>, vector<128x256xf32>
    %dot_general3A = arith.constant dense<0.000000e+00> : vector<100x256xf32>
    %dot_general3A_16 = tpu.matmul %div3A_12, %get3A_15, %dot_general3A {dimension_numbers = #tpu.dot_dimension_numbers<[1], [0], [0], [1], [0, 0, 1, 1], [], []>, precision = #tpu.contract_precision<fp32>, transpose_lhs_hint = false} : vector<100x128xf32>, vector<128x256xf32>, vector<100x256xf32> -> vector<100x256xf32>
    %get3A_17 = arith.constant 0 : index
    %get3A_18 = arith.constant 0 : index
    %get3A_19 = vector.load %arg3[%get3A_17, %get3A_18] : memref<100x16xf32, #tpu.memory_space<vmem>>, vector<100x16xf32>
    %get3A_20 = arith.constant 0 : index
    %get3A_21 = arith.constant 0 : index
    %get3A_22 = vector.load %arg5[%get3A_20, %get3A_21] : memref<16x256xf32, #tpu.memory_space<vmem>>, vector<16x256xf32>
    %dot_general3A_23 = arith.constant dense<0.000000e+00> : vector<100x256xf32>
    %dot_general3A_24 = tpu.matmul %get3A_19, %get3A_22, %dot_general3A_23 {dimension_numbers = #tpu.dot_dimension_numbers<[1], [0], [0], [1], [0, 0, 1, 1], [], []>, precision = #tpu.contract_precision<fp32>, transpose_lhs_hint = false} : vector<100x16xf32>, vector<16x256xf32>, vector<100x256xf32> -> vector<100x256xf32>
    %add3A_25 = arith.addf %dot_general3A_16, %dot_general3A_24 : vector<100x256xf32>
    %get3A_26 = arith.constant 0 : index
    %get3A_27 = arith.constant 0 : index
    %get3A_28 = vector.load %arg6[%get3A_26, %get3A_27] : memref<1x256xf32, #tpu.memory_space<vmem>>, vector<1x256xf32>
    %add3A_29 = vector.broadcast %get3A_28 : vector<1x256xf32> to vector<100x256xf32>
    %add3A_30 = arith.addf %add3A_25, %add3A_29 : vector<100x256xf32>
    %max3A_31 = arith.constant 0.000000e+00 : f32
    %max3A_32 = vector.broadcast %max3A_31 : f32 to vector<100x256xf32>
    %max3A_33 = arith.maximumf %add3A_30, %max3A_32 : vector<100x256xf32>
    %get3A_34 = arith.constant 0 : index
    %get3A_35 = arith.constant 0 : index
    %get3A_36 = vector.load %arg7[%get3A_34, %get3A_35] : memref<256x128xf32, #tpu.memory_space<vmem>>, vector<256x128xf32>
    %dot_general3A_37 = arith.constant dense<0.000000e+00> : vector<100x128xf32>
    %dot_general3A_38 = tpu.matmul %max3A_33, %get3A_36, %dot_general3A_37 {dimension_numbers = #tpu.dot_dimension_numbers<[1], [0], [0], [1], [0, 0, 1, 1], [], []>, precision = #tpu.contract_precision<fp32>, transpose_lhs_hint = false} : vector<100x256xf32>, vector<256x128xf32>, vector<100x128xf32> -> vector<100x128xf32>
    %get3A_39 = arith.constant 0 : index
    %get3A_40 = arith.constant 0 : index
    %get3A_41 = vector.load %arg8[%get3A_39, %get3A_40] : memref<1x128xf32, #tpu.memory_space<vmem>>, vector<1x128xf32>
    %add3A_42 = vector.broadcast %get3A_41 : vector<1x128xf32> to vector<100x128xf32>
    %add3A_43 = arith.addf %dot_general3A_38, %add3A_42 : vector<100x128xf32>
    %max3A_44 = arith.constant 0.000000e+00 : f32
    %max3A_45 = vector.broadcast %max3A_44 : f32 to vector<100x128xf32>
    %max3A_46 = arith.maximumf %add3A_43, %max3A_45 : vector<100x128xf32>
    %get3A_47 = arith.constant 0 : index
    %get3A_48 = arith.constant 0 : index
    %get3A_49 = vector.load %arg9[%get3A_47, %get3A_48] : memref<128x128xf32, #tpu.memory_space<vmem>>, vector<128x128xf32>
    %dot_general3A_50 = arith.constant dense<0.000000e+00> : vector<100x128xf32>
    %dot_general3A_51 = tpu.matmul %max3A_46, %get3A_49, %dot_general3A_50 {dimension_numbers = #tpu.dot_dimension_numbers<[1], [0], [0], [1], [0, 0, 1, 1], [], []>, precision = #tpu.contract_precision<fp32>, transpose_lhs_hint = false} : vector<100x128xf32>, vector<128x128xf32>, vector<100x128xf32> -> vector<100x128xf32>
    %get3A_52 = arith.constant 0 : index
    %get3A_53 = arith.constant 0 : index
    %get3A_54 = vector.load %arg10[%get3A_52, %get3A_53] : memref<1x128xf32, #tpu.memory_space<vmem>>, vector<1x128xf32>
    %add3A_55 = vector.broadcast %get3A_54 : vector<1x128xf32> to vector<100x128xf32>
    %add3A_56 = arith.addf %dot_general3A_51, %add3A_55 : vector<100x128xf32>
    %max3A_57 = arith.constant 0.000000e+00 : f32
    %max3A_58 = vector.broadcast %max3A_57 : f32 to vector<100x128xf32>
    %max3A_59 = arith.maximumf %add3A_56, %max3A_58 : vector<100x128xf32>
    %get3A_60 = arith.constant 0 : index
    %get3A_61 = arith.constant 0 : index
    %get3A_62 = vector.load %arg11[%get3A_60, %get3A_61] : memref<128x64xf32, #tpu.memory_space<vmem>>, vector<128x64xf32>
    %dot_general3A_63 = arith.constant dense<0.000000e+00> : vector<100x64xf32>
    %dot_general3A_64 = tpu.matmul %max3A_59, %get3A_62, %dot_general3A_63 {dimension_numbers = #tpu.dot_dimension_numbers<[1], [0], [0], [1], [0, 0, 1, 1], [], []>, precision = #tpu.contract_precision<fp32>, transpose_lhs_hint = false} : vector<100x128xf32>, vector<128x64xf32>, vector<100x64xf32> -> vector<100x64xf32>
    %get3A_65 = arith.constant 0 : index
    %get3A_66 = arith.constant 0 : index
    %get3A_67 = vector.load %arg12[%get3A_65, %get3A_66] : memref<1x64xf32, #tpu.memory_space<vmem>>, vector<1x64xf32>
    %add3A_68 = vector.broadcast %get3A_67 : vector<1x64xf32> to vector<100x64xf32>
    %add3A_69 = arith.addf %dot_general3A_64, %add3A_68 : vector<100x64xf32>
    %max3A_70 = arith.constant 0.000000e+00 : f32
    %max3A_71 = vector.broadcast %max3A_70 : f32 to vector<100x64xf32>
    %max3A_72 = arith.maximumf %add3A_69, %max3A_71 : vector<100x64xf32>
    %get3A_73 = arith.constant 0 : index
    %get3A_74 = arith.constant 0 : index
    %get3A_75 = vector.load %arg13[%get3A_73, %get3A_74] : memref<64x64xf32, #tpu.memory_space<vmem>>, vector<64x64xf32>
    %dot_general3A_76 = arith.constant dense<0.000000e+00> : vector<100x64xf32>
    %dot_general3A_77 = tpu.matmul %max3A_72, %get3A_75, %dot_general3A_76 {dimension_numbers = #tpu.dot_dimension_numbers<[1], [0], [0], [1], [0, 0, 1, 1], [], []>, precision = #tpu.contract_precision<fp32>, transpose_lhs_hint = false} : vector<100x64xf32>, vector<64x64xf32>, vector<100x64xf32> -> vector<100x64xf32>
    %get3A_78 = arith.constant 0 : index
    %get3A_79 = arith.constant 0 : index
    %get3A_80 = vector.load %arg14[%get3A_78, %get3A_79] : memref<1x64xf32, #tpu.memory_space<vmem>>, vector<1x64xf32>
    %add3A_81 = vector.broadcast %get3A_80 : vector<1x64xf32> to vector<100x64xf32>
    %add3A_82 = arith.addf %dot_general3A_77, %add3A_81 : vector<100x64xf32>
    %max3A_83 = arith.constant 0.000000e+00 : f32
    %max3A_84 = vector.broadcast %max3A_83 : f32 to vector<100x64xf32>
    %max3A_85 = arith.maximumf %add3A_82, %max3A_84 : vector<100x64xf32>
    %get3A_86 = arith.constant 0 : index
    %get3A_87 = arith.constant 0 : index
    %get3A_88 = vector.load %arg15[%get3A_86, %get3A_87] : memref<64x32xf32, #tpu.memory_space<vmem>>, vector<64x32xf32>
    %dot_general3A_89 = arith.constant dense<0.000000e+00> : vector<100x32xf32>
    %dot_general3A_90 = tpu.matmul %max3A_85, %get3A_88, %dot_general3A_89 {dimension_numbers = #tpu.dot_dimension_numbers<[1], [0], [0], [1], [0, 0, 1, 1], [], []>, precision = #tpu.contract_precision<fp32>, transpose_lhs_hint = false} : vector<100x64xf32>, vector<64x32xf32>, vector<100x32xf32> -> vector<100x32xf32>
    %get3A_91 = arith.constant 0 : index
    %get3A_92 = arith.constant 0 : index
    %get3A_93 = vector.load %arg16[%get3A_91, %get3A_92] : memref<1x32xf32, #tpu.memory_space<vmem>>, vector<1x32xf32>
    %add3A_94 = vector.broadcast %get3A_93 : vector<1x32xf32> to vector<100x32xf32>
    %add3A_95 = arith.addf %dot_general3A_90, %add3A_94 : vector<100x32xf32>
    %max3A_96 = arith.constant 0.000000e+00 : f32
    %max3A_97 = vector.broadcast %max3A_96 : f32 to vector<100x32xf32>
    %max3A_98 = arith.maximumf %add3A_95, %max3A_97 : vector<100x32xf32>
    %get3A_99 = arith.constant 0 : index
    %get3A_100 = arith.constant 0 : index
    %get3A_101 = vector.load %arg17[%get3A_99, %get3A_100] : memref<32x1xf32, #tpu.memory_space<vmem>>, vector<32x1xf32>
    %dot_general3A_102 = arith.constant dense<0.000000e+00> : vector<100x1xf32>
    %dot_general3A_103 = tpu.matmul %max3A_98, %get3A_101, %dot_general3A_102 {dimension_numbers = #tpu.dot_dimension_numbers<[1], [0], [0], [1], [0, 0, 1, 1], [], []>, precision = #tpu.contract_precision<fp32>, transpose_lhs_hint = false} : vector<100x32xf32>, vector<32x1xf32>, vector<100x1xf32> -> vector<100x1xf32>
    %get3A_104 = arith.constant 0 : index
    %get3A_105 = arith.constant 0 : index
    %get3A_106 = vector.load %arg18[%get3A_104, %get3A_105] : memref<1x1xf32, #tpu.memory_space<vmem>>, vector<1x1xf32>
    %add3A_107 = vector.broadcast %get3A_106 : vector<1x1xf32> to vector<100x1xf32>
    %add3A_108 = arith.addf %dot_general3A_103, %add3A_107 : vector<100x1xf32>
    %swap3A = arith.constant 0 : index
    %swap3A_109 = arith.constant 0 : index
    %swap3A_110 = vector.load %arg19[%swap3A, %swap3A_109] : memref<100x1xf32, #tpu.memory_space<vmem>>, vector<100x1xf32>
    tpu.vector_store %arg19[%swap3A, %swap3A_109], %add3A_108 {strides = array<i32>} : memref<100x1xf32, #tpu.memory_space<vmem>>, vector<100x1xf32>,
    return
  }
}

module attributes {stable_mosaic.version = 14 : i64} {
  func.func @_tc_conv_body(%arg0: i32, %arg1: memref<2000x128xf32, #tpu.memory_space<vmem>>, %arg2: memref<1x2000x128xf32, #tpu.memory_space<vmem>>, %arg3: memref<1x2000x128xf32, #tpu.memory_space<vmem>>, %arg4: memref<1x1x2000xi32, #tpu.memory_space<vmem>>, %arg5: memref<128x128xf32, #tpu.memory_space<vmem>>, %arg6: memref<1x128xf32, #tpu.memory_space<vmem>>, %arg7: memref<128x128xf32, #tpu.memory_space<vmem>>, %arg8: memref<1x128xf32, #tpu.memory_space<vmem>>, %arg9: memref<2000x128xf32, #tpu.memory_space<vmem>>, %arg10: memref<100x128xf32, #tpu.memory_space<vmem>>, %arg11: memref<100x1xf32, #tpu.memory_space<vmem>>) attributes {dimension_semantics = [#tpu.dimension_semantics<arbitrary>], iteration_bounds = array<i64: 5>, scalar_prefetch = 0 : i64, scratch_operands = 0 : i64, tpu.core_type = #tpu.core_type<tc>, window_params = [{transform_indices = @transform_0, window_bounds = array<i64: 2000, 128>}, {transform_indices = @transform_1, window_bounds = array<i64: 1, 2000, 128>}, {transform_indices = @transform_2, window_bounds = array<i64: 1, 2000, 128>}, {transform_indices = @transform_3, window_bounds = array<i64: 1, 1, 2000>}, {pipeline_mode = #tpu.pipeline_mode<synchronous>, transform_indices = @transform_4, window_bounds = array<i64: 128, 128>}, {pipeline_mode = #tpu.pipeline_mode<synchronous>, transform_indices = @transform_5, window_bounds = array<i64: 1, 128>}, {pipeline_mode = #tpu.pipeline_mode<synchronous>, transform_indices = @transform_6, window_bounds = array<i64: 128, 128>}, {pipeline_mode = #tpu.pipeline_mode<synchronous>, transform_indices = @transform_7, window_bounds = array<i64: 1, 128>}, {transform_indices = @transform_8, window_bounds = array<i64: 2000, 128>}, {pipeline_mode = #tpu.pipeline_mode<synchronous>, transform_indices = @transform_9, window_bounds = array<i64: 100, 128>}, {pipeline_mode = #tpu.pipeline_mode<synchronous>, transform_indices = @transform_10, window_bounds = array<i64: 100, 1>}]} {
    %get3A = arith.constant 0 : index
    %get3A_0 = arith.constant 0 : index
    %get3A_1 = vector.load %arg1[%get3A, %get3A_0] : memref<2000x128xf32, #tpu.memory_space<vmem>>, vector<2000x128xf32>
    %get3A_2 = arith.constant 0 : index
    %get3A_3 = arith.constant 0 : index
    %get3A_4 = arith.constant 0 : index
    %get3A_5 = vector.load %arg2[%get3A_2, %get3A_3, %get3A_4] : memref<1x2000x128xf32, #tpu.memory_space<vmem>>, vector<1x2000x128xf32>
    %get3A_6 = vector.shape_cast %get3A_5 : vector<1x2000x128xf32> to vector<2000x128xf32>
    %add3A = arith.addf %get3A_1, %get3A_6 : vector<2000x128xf32>
    %get3A_7 = arith.constant 0 : index
    %get3A_8 = arith.constant 0 : index
    %get3A_9 = arith.constant 0 : index
    %get3A_10 = vector.load %arg3[%get3A_7, %get3A_8, %get3A_9] : memref<1x2000x128xf32, #tpu.memory_space<vmem>>, vector<1x2000x128xf32>
    %get3A_11 = vector.shape_cast %get3A_10 : vector<1x2000x128xf32> to vector<2000x128xf32>
    %add3A_12 = arith.addf %add3A, %get3A_11 : vector<2000x128xf32>
    %get3A_13 = arith.constant 0 : index
    %get3A_14 = arith.constant 0 : index
    %get3A_15 = vector.load %arg5[%get3A_13, %get3A_14] : memref<128x128xf32, #tpu.memory_space<vmem>>, vector<128x128xf32>
    %dot_general3A = arith.constant dense<0.000000e+00> : vector<2000x128xf32>
    %dot_general3A_16 = tpu.matmul %add3A_12, %get3A_15, %dot_general3A {dimension_numbers = #tpu.dot_dimension_numbers<[1], [0], [0], [1], [0, 0, 1, 1], [], []>, precision = #tpu.contract_precision<fp32>, transpose_lhs_hint = false} : vector<2000x128xf32>, vector<128x128xf32>, vector<2000x128xf32> -> vector<2000x128xf32>
    %get3A_17 = arith.constant 0 : index
    %get3A_18 = arith.constant 0 : index
    %get3A_19 = vector.load %arg6[%get3A_17, %get3A_18] : memref<1x128xf32, #tpu.memory_space<vmem>>, vector<1x128xf32>
    %add3A_20 = vector.broadcast %get3A_19 : vector<1x128xf32> to vector<2000x128xf32>
    %add3A_21 = arith.addf %dot_general3A_16, %add3A_20 : vector<2000x128xf32>
    %max3A = arith.constant 0.000000e+00 : f32
    %max3A_22 = vector.broadcast %max3A : f32 to vector<2000x128xf32>
    %max3A_23 = arith.maximumf %add3A_21, %max3A_22 : vector<2000x128xf32>
    %get3A_24 = arith.constant 0 : index
    %get3A_25 = arith.constant 0 : index
    %get3A_26 = vector.load %arg7[%get3A_24, %get3A_25] : memref<128x128xf32, #tpu.memory_space<vmem>>, vector<128x128xf32>
    %dot_general3A_27 = arith.constant dense<0.000000e+00> : vector<2000x128xf32>
    %dot_general3A_28 = tpu.matmul %max3A_23, %get3A_26, %dot_general3A_27 {dimension_numbers = #tpu.dot_dimension_numbers<[1], [0], [0], [1], [0, 0, 1, 1], [], []>, precision = #tpu.contract_precision<fp32>, transpose_lhs_hint = false} : vector<2000x128xf32>, vector<128x128xf32>, vector<2000x128xf32> -> vector<2000x128xf32>
    %get3A_29 = arith.constant 0 : index
    %get3A_30 = arith.constant 0 : index
    %get3A_31 = vector.load %arg8[%get3A_29, %get3A_30] : memref<1x128xf32, #tpu.memory_space<vmem>>, vector<1x128xf32>
    %add3A_32 = vector.broadcast %get3A_31 : vector<1x128xf32> to vector<2000x128xf32>
    %add3A_33 = arith.addf %dot_general3A_28, %add3A_32 : vector<2000x128xf32>
    %max3A_34 = arith.constant 0.000000e+00 : f32
    %max3A_35 = vector.broadcast %max3A_34 : f32 to vector<2000x128xf32>
    %max3A_36 = arith.maximumf %add3A_33, %max3A_35 : vector<2000x128xf32>
    %swap3A = arith.constant 0 : index
    %swap3A_37 = arith.constant 0 : index
    %swap3A_38 = vector.load %arg9[%swap3A, %swap3A_37] : memref<2000x128xf32, #tpu.memory_space<vmem>>, vector<2000x128xf32>
    tpu.vector_store %arg9[%swap3A, %swap3A_37], %max3A_36 {strides = array<i32>} : memref<2000x128xf32, #tpu.memory_space<vmem>>, vector<2000x128xf32>,
    %get3A_39 = arith.constant 0 : index
    %get3A_40 = arith.constant 0 : index
    %get3A_41 = arith.constant 0 : index
    %get3A_42 = vector.load %arg4[%get3A_39, %get3A_40, %get3A_41] : memref<1x1x2000xi32, #tpu.memory_space<vmem>>, vector<1x1x2000xi32>
    %get3A_43 = vector.shape_cast %get3A_42 : vector<1x1x2000xi32> to vector<2000xi32>
    %iota3A = tpu.iota {dimensions = array<i32: 0>} : vector<100x2000xi32>
    %broadcast_in_dim3A = vector.shape_cast %get3A_43 : vector<2000xi32> to vector<1x2000xi32>
    %eq3A = vector.broadcast %broadcast_in_dim3A : vector<1x2000xi32> to vector<100x2000xi32>
    %eq3A_44 = arith.cmpi eq, %iota3A, %eq3A : vector<100x2000xi32>
    %convert_element_type3A = arith.extui %eq3A_44 : vector<100x2000xi1> to vector<100x2000xi32>
    %convert_element_type3A_45 = arith.sitofp %convert_element_type3A : vector<100x2000xi32> to vector<100x2000xf32>
    %eq3A_46 = arith.constant 0 : i32
    %eq3A_47 = arith.cmpi eq, %arg0, %eq3A_46 : i32
    %convert_element_type3A_48 = arith.extui %eq3A_47 : i1 to i32
    %cond3A = arith.constant 0 : i32
    %cond3A_49 = arith.cmpi ne, %convert_element_type3A_48, %cond3A : i32
    scf.if %cond3A_49 {
      %broadcast_in_dim3A_68 = arith.constant 0.000000e+00 : f32
      %broadcast_in_dim3A_69 = vector.broadcast %broadcast_in_dim3A_68 : f32 to vector<100x128xf32>
      %swap3A_70 = arith.constant 0 : index
      %swap3A_71 = arith.constant 0 : index
      %swap3A_72 = vector.load %arg10[%swap3A_70, %swap3A_71] : memref<100x128xf32, #tpu.memory_space<vmem>>, vector<100x128xf32>
      tpu.vector_store %arg10[%swap3A_70, %swap3A_71], %broadcast_in_dim3A_69 {strides = array<i32>} : memref<100x128xf32, #tpu.memory_space<vmem>>, vector<100x128xf32>,
      %broadcast_in_dim3A_73 = arith.constant 0.000000e+00 : f32
      %broadcast_in_dim3A_74 = vector.broadcast %broadcast_in_dim3A_73 : f32 to vector<100x1xf32>
      %swap3A_75 = arith.constant 0 : index
      %swap3A_76 = arith.constant 0 : index
      %swap3A_77 = vector.load %arg11[%swap3A_75, %swap3A_76] : memref<100x1xf32, #tpu.memory_space<vmem>>, vector<100x1xf32>
      tpu.vector_store %arg11[%swap3A_75, %swap3A_76], %broadcast_in_dim3A_74 {strides = array<i32>} : memref<100x1xf32, #tpu.memory_space<vmem>>, vector<100x1xf32>,
    } else {
    }
    %get3A_50 = arith.constant 0 : index
    %get3A_51 = arith.constant 0 : index
    %get3A_52 = vector.load %arg10[%get3A_50, %get3A_51] : memref<100x128xf32, #tpu.memory_space<vmem>>, vector<100x128xf32>
    %dot_general3A_53 = arith.constant dense<0.000000e+00> : vector<100x128xf32>
    %dot_general3A_54 = tpu.matmul %convert_element_type3A_45, %max3A_36, %dot_general3A_53 {dimension_numbers = #tpu.dot_dimension_numbers<[1], [0], [0], [1], [0, 0, 1, 1], [], []>, precision = #tpu.contract_precision<fp32>, transpose_lhs_hint = false} : vector<100x2000xf32>, vector<2000x128xf32>, vector<100x128xf32> -> vector<100x128xf32>
    %add3A_55 = arith.addf %get3A_52, %dot_general3A_54 : vector<100x128xf32>
    %swap3A_56 = arith.constant 0 : index
    %swap3A_57 = arith.constant 0 : index
    %swap3A_58 = vector.load %arg10[%swap3A_56, %swap3A_57] : memref<100x128xf32, #tpu.memory_space<vmem>>, vector<100x128xf32>
    tpu.vector_store %arg10[%swap3A_56, %swap3A_57], %add3A_55 {strides = array<i32>} : memref<100x128xf32, #tpu.memory_space<vmem>>, vector<100x128xf32>,
    %get3A_59 = arith.constant 0 : index
    %get3A_60 = arith.constant 0 : index
    %get3A_61 = vector.load %arg11[%get3A_59, %get3A_60] : memref<100x1xf32, #tpu.memory_space<vmem>>, vector<100x1xf32>
    %reduce_sum3A = arith.constant dense<0.000000e+00> : vector<100xf32>
    %reduce_sum3A_62 = vector.multi_reduction <add>, %convert_element_type3A_45, %reduce_sum3A [1] : vector<100x2000xf32> to vector<100xf32>
    %broadcast_in_dim3A_63 = vector.shape_cast %reduce_sum3A_62 : vector<100xf32> to vector<100x1xf32>
    %add3A_64 = arith.addf %get3A_61, %broadcast_in_dim3A_63 : vector<100x1xf32>
    %swap3A_65 = arith.constant 0 : index
    %swap3A_66 = arith.constant 0 : index
    %swap3A_67 = vector.load %arg11[%swap3A_65, %swap3A_66] : memref<100x1xf32, #tpu.memory_space<vmem>>, vector<100x1xf32>
    tpu.vector_store %arg11[%swap3A_65, %swap3A_66], %add3A_64 {strides = array<i32>} : memref<100x1xf32, #tpu.memory_space<vmem>>, vector<100x1xf32>,
    return
  }
  func.func @transform_0(%arg0: i32) -> (i32, i32) {
    %c0_i32 = arith.constant 0 : i32
    %c0_i32_0 = arith.constant 0 : i32
    return %arg0, %c0_i32 : i32, i32
  }
  func.func @transform_1(%arg0: i32) -> (i32, i32, i32) {
    %c0_i32 = arith.constant 0 : i32
    %c0_i32_0 = arith.constant 0 : i32
    %c0_i32_1 = arith.constant 0 : i32
    return %c0_i32, %arg0, %c0_i32_0 : i32, i32, i32
  }
  func.func @transform_2(%arg0: i32) -> (i32, i32, i32) {
    %c1_i32 = arith.constant 1 : i32
    %c0_i32 = arith.constant 0 : i32
    %c0_i32_0 = arith.constant 0 : i32
    return %c1_i32, %arg0, %c0_i32 : i32, i32, i32
  }
  func.func @transform_3(%arg0: i32) -> (i32, i32, i32) {
    %c0_i32 = arith.constant 0 : i32
    %c0_i32_0 = arith.constant 0 : i32
    %c0_i32_1 = arith.constant 0 : i32
    return %arg0, %c0_i32, %c0_i32_0 : i32, i32, i32
  }
  func.func @transform_4(%arg0: i32) -> (i32, i32) {
    %c0_i32 = arith.constant 0 : i32
    %c0_i32_0 = arith.constant 0 : i32
    %c0_i32_1 = arith.constant 0 : i32
    return %c0_i32, %c0_i32_0 : i32, i32
  }
  func.func @transform_5(%arg0: i32) -> (i32, i32) {
    %c0_i32 = arith.constant 0 : i32
    %c0_i32_0 = arith.constant 0 : i32
    %c0_i32_1 = arith.constant 0 : i32
    return %c0_i32, %c0_i32_0 : i32, i32
  }
  func.func @transform_6(%arg0: i32) -> (i32, i32) {
    %c0_i32 = arith.constant 0 : i32
    %c0_i32_0 = arith.constant 0 : i32
    %c0_i32_1 = arith.constant 0 : i32
    return %c0_i32, %c0_i32_0 : i32, i32
  }
  func.func @transform_7(%arg0: i32) -> (i32, i32) {
    %c0_i32 = arith.constant 0 : i32
    %c0_i32_0 = arith.constant 0 : i32
    %c0_i32_1 = arith.constant 0 : i32
    return %c0_i32, %c0_i32_0 : i32, i32
  }
  func.func @transform_8(%arg0: i32) -> (i32, i32) {
    %c0_i32 = arith.constant 0 : i32
    %c0_i32_0 = arith.constant 0 : i32
    return %arg0, %c0_i32 : i32, i32
  }
  func.func @transform_9(%arg0: i32) -> (i32, i32) {
    %c0_i32 = arith.constant 0 : i32
    %c0_i32_0 = arith.constant 0 : i32
    %c0_i32_1 = arith.constant 0 : i32
    return %c0_i32, %c0_i32_0 : i32, i32
  }
  func.func @transform_10(%arg0: i32) -> (i32, i32) {
    %c0_i32 = arith.constant 0 : i32
    %c0_i32_0 = arith.constant 0 : i32
    %c0_i32_1 = arith.constant 0 : i32
    return %c0_i32, %c0_i32_0 : i32, i32
  }
}

</mosaic_0001>

<sc_bundles>
// kernel: kernel.10.cloned.1.call-start
scs
__scs_entry_jumppad:
0x0: {  	(pc) =	sbr.rel $0x88, $3  }
0x1: {  	(tag) =	ssettag $0x0;
	lr =	simm.s32 $0x1  }
0x2: {  	[smem:$0x3F87] =	sst lr;
	_ =	strace $0xD0000000  }
0x3: {  	_ = 	snop  }
0x4: {  	_ = 	snop  }
0x5: {  	_ = 	snop  }
0x6: {  	_ = 	snop  }
0x7: {  	_ = 	snop  }
__scs_overlays_trampoline_lowered:
0x8: {  	[smem:$0x3F96] =	sst s0  }
0x9: {  	[smem:$0x3F97] =	sst s1  }
0xa: {  	[smem:$0x3F98] =	sst s2  }
0xb: {  	[smem:$0x3F99] =	sst s3  }
0xc: {  	[smem:$0x3F9A] =	sst s4  }
0xd: {  	[smem:$0x3F9B] =	sst s5  }
0xe: {  	[smem:$0x3F9C] =	sst s6  }
0xf: {  	[smem:$0x3F9D] =	sst s7  }
0x10: {  	[smem:$0x3F9E] =	sst s8  }
0x11: {  	[smem:$0x3F9F] =	sst s9;
	s0 =	simm.s32 @!p0 $0x0  }
0x12: {  	s1 =	sld [smem:$0x3F85];
	s0 =	simm.s32 @p0 $0x1  }
0x13: {  	[smem:$0x3FA0] =	sst s0;
	s0 =	simm.s32 @!p1 $0x0  }
0x14: {  	s2 =	sld [smem:$0x3F84];
	s0 =	simm.s32 @p1 $0x1  }
0x15: {  	[smem:$0x3FA1] =	sst s0;
	s0 =	simm.s32 @!p2 $0x0  }
0x16: {  	s3 =	sld [smem:$0x3FDB];
	s0 =	simm.s32 @p2 $0x1  }
0x17: {  	s4 =	simm.s32 $0x1BF5;
	[smem:$0x3FA3] =	sst s0  }
0x18: {  	s0 =	sld [smem:$0x3F86];
	_ =	swait.ge [sflag:s4], $0x0  }
0x19: {  	s7 =	sld [smem:$0x3F87]  }
0x1a: {  	s8 =	sadd.s32 $0xFFFFE003, lr  }
0x1b: {  	s9 =	sadd.s32 $0xFFFFFEF7, lr;
	s5 =	simm.s32 $0xFFFFFFFF;
	p2 =	slt.u32 s8, $0xFFFFF086  }
0x1c: {  	p1 =	slt.u32 s9, $0xF7A;
	s5 =	simm.s32 @!p2 $0x0  }
0x1d: {  	s5 =	simm.s32 @p1 $0x1;
	p0 =	seq.s32 s7, s2  }
0x1e: {  	s7 =	smul.u32 @!p0 $0xF7A, s2;
	p2 =	seq.s32 @!p0 s5, $0x0  }
0x1f: {  	s9 =	smul.u32 $0xF7A, s1;
	s8 =	simm.s32 @!p0 $0x1BF5;
	p2 =	por !p2, p0  }
0x20: {  	[sflag:s8] =	ssyncset.s32 @!p0 $0xFFFFF086;
	s6 =	sadd.s32 @!p0 s3, s7;
	s7 =	simm.s32 @!p0 $0x108  }
0x21: {  	s3 =	sadd.s32 s3, s9;
	s6 =	sadd.s32 @!p0 $0x88, s6;
	s7 =	simm.s32 @p2 $0x1082  }
0x22: {  	[simem:s7], [sflag:s8] =	dma.local @!p0 [hbm:s6], $0xF7A  }
0x23: {  	s9 =	sor.u32 $0xD0000000, s2;
	s6 =	simm.s32 $0x108;
	_ =	swait.ge @!p0 [sflag:s8], $0x0  }
0x24: {  	s3 =	sadd.s32 $0x88, s3;
	s6 =	simm.s32 @!p1 $0x1082;
	[sflag:s4] =	ssyncset.s32 $0xFFFFF086  }
0x25: {  	[simem:s6], [sflag:s4] =	dma.local [hbm:s3], $0xF7A  }
0x26: {  	[smem:$0x3F87] =	sst s1;
	(tag) =	ssettag s2;
	_ =	strace s9  }
0x27: {  	s1 =	sld [smem:$0x3F97]  }
0x28: {  	s2 =	sld [smem:$0x3F98]  }
0x29: {  	s4 =	sld [smem:$0x3F9A]  }
0x2a: {  	p0 =	seq.s32 s5, $0x0;
	s5 =	sld [smem:$0x3F9B]  }
0x2b: {  	s6 =	sld [smem:$0x3F9C]  }
0x2c: {  	s7 =	sld [smem:$0x3F9D]  }
0x2d: {  	s3 =	simm.s32 $0x108;
	s8 =	sld [smem:$0x3F9E]  }
0x2e: {  	s3 =	simm.s32 @!p0 $0x1082;
	s9 =	sld [smem:$0x3F9F]  }
0x2f: {  	lr =	sadd.s32 s0, s3;
	s0 =	sld [smem:$0x3F96]  }
0x30: {  	s3 =	sld [smem:$0x3F99]  }
0x31: {  	[smem:$0x3FA2] =	sst s10  }
0x32: {  	s10 =	sld [smem:$0x3FA0];
	_ =	sdelay $0x3  }
0x33: {  	p0 =	seq.s32 s10, $0x1;
	s10 =	sld [smem:$0x3FA2];
	_ =	sdelay $0x3  }
0x34: {  	[smem:$0x3FA2] =	sst s10  }
0x35: {  	s10 =	sld [smem:$0x3FA1];
	_ =	sdelay $0x3  }
0x36: {  	p1 =	seq.s32 s10, $0x1;
	s10 =	sld [smem:$0x3FA2];
	_ =	sdelay $0x3  }
0x37: {  	[smem:$0x3FA2] =	sst s10  }
0x38: {  	s10 =	sld [smem:$0x3FA3]  }
0x39: {  	_ = 	snop;
	(pc) =	sbr.ind lr, $3  }
0x3a: {  	_ = 	snop  }
0x3b: {  	_ = 	snop  }
0x3c: {  	p2 =	seq.s32 s10, $0x1;
	s10 =	sld [smem:$0x3FA2]  }
0x3d: {  	_ =	shalt  }
0x3e: {  	_ =	shalt  }
0x3f: {  	_ =	shalt  }
0x40: {  	_ =	shalt  }
0x41: {  	_ =	shalt  }
0x42: {  	_ =	shalt  }
0x43: {  	_ =	shalt  }
0x44: {  	_ =	shalt  }
0x45: {  	_ =	shalt  }
0x46: {  	_ =	shalt  }
0x47: {  	_ =	shalt  }
0x48: {  	_ =	shalt  }
0x49: {  	_ =	shalt  }
0x4a: {  	_ =	shalt  }
0x4b: {  	_ =	shalt  }
0x4c: {  	_ =	shalt  }
0x4d: {  	_ =	shalt  }
0x4e: {  	_ =	shalt  }
0x4f: {  	_ =	shalt  }
0x50: {  	_ =	shalt  }
0x51: {  	_ =	shalt  }
0x52: {  	_ =	shalt  }
0x53: {  	_ =	shalt  }
0x54: {  	_ =	shalt  }
0x55: {  	_ =	shalt  }
0x56: {  	_ =	shalt  }
0x57: {  	_ =	shalt  }
0x58: {  	_ =	shalt  }
0x59: {  	_ =	shalt  }
0x5a: {  	_ =	shalt  }
0x5b: {  	_ =	shalt  }
0x5c: {  	_ =	shalt  }
0x5d: {  	_ =	shalt  }
0x5e: {  	_ =	shalt  }
0x5f: {  	_ =	shalt  }
0x60: {  	_ =	shalt  }
0x61: {  	_ =	shalt  }
0x62: {  	_ =	shalt  }
0x63: {  	_ =	shalt  }
0x64: {  	_ =	shalt  }
0x65: {  	_ =	shalt  }
0x66: {  	_ =	shalt  }
0x67: {  	_ =	shalt  }
0x68: {  	_ =	shalt  }
0x69: {  	_ =	shalt  }
0x6a: {  	_ =	shalt  }
0x6b: {  	_ =	shalt  }
0x6c: {  	_ =	shalt  }
0x6d: {  	_ =	shalt  }
0x6e: {  	_ =	shalt  }
0x6f: {  	_ =	shalt  }
0x70: {  	_ =	shalt  }
0x71: {  	_ =	shalt  }
0x72: {  	_ =	shalt  }
0x73: {  	_ =	shalt  }
0x74: {  	_ =	shalt  }
0x75: {  	_ =	shalt  }
0x76: {  	_ =	shalt  }
0x77: {  	_ =	shalt  }
0x78: {  	_ =	shalt  }
0x79: {  	_ =	shalt  }
0x7a: {  	_ =	shalt  }
0x7b: {  	_ =	shalt  }
0x7c: {  	_ =	shalt  }
0x7d: {  	_ =	shalt  }
0x7e: {  	_ =	shalt  }
0x7f: {  	_ =	shalt  }
0x80: {  	_ =	shalt  }
0x81: {  	_ =	shalt  }
0x82: {  	_ =	shalt  }
0x83: {  	_ =	shalt  }
0x84: {  	_ =	shalt  }
0x85: {  	_ =	shalt  }
0x86: {  	_ =	shalt  }
0x87: {  	_ =	shalt  }
.Lfunc_end0:
.L_simem_size_0:
called_computation.1_lowered:
.L_overlay_start_0:
0x88: {  	s2 =	sld [smem:$0x3FD9]  }
0x89: {  	s3 =	sld [smem:$0x3FFE];
	_ =	sdelay $0x1  }
0x8a: {  	s1 =	srdreg.scid  }
0x8b: {  	s0 =	sand.u32 $0x1, s1  }
0x8c: {  	s16 =	sshll.u32 s0, $0xA;
	s2 =	sadd.s32 s3, s2  }
0x8d: {  	s2 =	sadd.s32 s2, s16  }
0x8e: {  	[smem:$0x3FAE] =	sst s2  }
0x8f: {  	_ = 	snop  }
0x90: {  	(tm) =	ssettm $0x1  }
0x91: {  	s17 =	sld [smem:$0x3FFB];
	_ =	sdelay $0x3  }
0x92: {  	_ =	strace s17  }
0x93: {  	s2 =	sld [smem:$0x3FFC];
	_ =	sdelay $0x3  }
0x94: {  	_ =	strace s2  }
0x95: {  	s2 =	sld [smem:$0x3FFD];
	_ =	sdelay $0x3  }
0x96: {  	_ =	strace s2  }
0x97: {  	_ =	strace $0x8FFFFFFF  }
0x98: {  	s18 =	sld [smem:$0x3FDB];
	_ =	sdelay $0x1  }
0x99: {  	s19 =	simm.s32 $_scs_section_size  }
0x9a: {  	s4 =	simm.s32 $_size__tile_overlayer_lowered;
	s5 =	simm.s32 $_tile_overlayer_lowered  }
0x9b: {  	s22 =	simm.s32 $0x1BFF;
	s21 =	sshll.u32 s5, $0x1;
	s2 =	sadd.s32 s19, s18  }
0x9c: {  	s6 =	simm.s32 $0x0;
	s20 =	sshll.u32 s4, $0x1;
	s4 =	sadd.s32 s21, s2  }
0x9d: {  	[timem:s6], [sflag:s22] =	dma.local [hbm:s4], s20  }
0x9e: {  	_ =	swait.ge [sflag:s22], s20  }
0x9f: {  	s3 =	ssub.s32 $0x0, s20;
	[sflag:s22] =	ssyncset.done $0x0  }
0xa0: {  	[sflag:s22] =	ssyncadd.s32 s3;
	_ =	sdelay $0x1  }
0xa1: {  	s23 =	simm.s32 $0x1B8B  }
0xa2: {  	_ =	swait.ge [sflag:s23], $0x1  }
0xa3: {  	[sflag:s23] =	ssyncset.done $0x0  }
0xa4: {  	s25 =	simm.s32 $0x1B8E;
	s24 =	sld [smem:$0x3FFE];
	[sflag:s23] =	ssyncadd.s32 $0xFFFFFFFF  }
0xa5: {  	s26 =	simm.s32 $execute0_lowered;
	[smem:$0x3FD2] =	sst s25  }
0xa6: {  	s4 =	sshll.u32 s26, $0x1;
	_ =	strace $0x80000049;
	[dreg:$0x1] =	wrdreg $0xFFFFFFFF  }
0xa7: {  	s28 =	simm.s32 $_size_execute0_lowered;
	s2 =	sadd.s32 s2, s4;
	[dreg:$0x0] =	wrdreg $0x0  }
0xa8: {  	s4 =	sshll.u32 s28, $0x1;
	[dreg:$0x2] =	wrdreg s2  }
0xa9: {  	[dreg:$0x3] =	wrdreg s4  }
0xaa: {  	[dreg:$0x4] =	wrdreg $0xC0  }
0xab: {  	_ =	task [dreg:s6], $0x5FFFF  }
0xac: {  	[dreg:$0x1] =	wrdreg $0xFFFFFFFF  }
0xad: {  	[dreg:$0x0] =	wrdreg $0x60  }
0xae: {  	[dreg:$0x2] =	wrdreg s24  }
0xaf: {  	[dreg:$0x3] =	wrdreg $0x82000  }
0xb0: {  	[dreg:$0x4] =	wrdreg $0x9  }
0xb1: {  	_ =	task.clear_ibuf [dreg:s6], $0x5FFFF;
	_ =	strace $0x90000049  }
0xb2: {  	s29 =	simm.s32 $0x9;
	_ =	strace $0x8000004B  }
0xb3: {  	_ =	swait.ge [sflag:s29], $0x1  }
0xb4: {  	[sflag:s29] =	ssyncadd.s32 $0xFFFFFFFF  }
0xb5: {  	_ =	strace $0x9000004B  }
0xb6: {  	_ =	sfence  }
0xb7: {  	s30 =	sld [smem:$0x0];
	_ =	sdelay $0x2  }
0xb8: {  	s31 =	sshll.u32 s1, $0xD;
	s1 =	sshrl.u32 s1, $0x2  }
0xb9: {  	s3 =	sand.u32 $0x4000, s31;
	s1 =	sadd.s32 s1, s30  }
0xba: {  	s0 =	sor.u32 s3, s0;
	s1 =	sshll.u32 s1, $0x11  }
0xbb: {  	s0 =	sor.u32 s1, s0  }
0xbc: {  	s0 =	sadd.s32 $0x8F2B, s0  }
0xbd: {  	[sflag:s0] =	ssyncadd.remote.s32 $0x1  }
0xbe: {  	_ =	sfence.sel $0xFFFF  }
0xbf: {  	[dreg:$0x0] =	wrdreg $0xFFFFFFFF;
	(pc) =	sbr.abs _section_cstart, $3  }
0xc0: {  	[dreg:$0x1] =	wrdreg $0xFFFFFFFF  }
0xc1: {  	_ =	task.clear_ibuf [dreg:s6], $0x2FFFF;
	_ =	strace $0x9FFFFFFF  }
0xc2: {  	(tm) =	ssettm $0x7FFFFFFF  }
0xc3: {  	_ =	shalt  }
tec
execute0_lowered:
.L_overlay_start_1:
0x0: {  	(tag) =	ssettag $0x1  }
0x1: {  	s0 =	rddreg [dreg:$0x0]  }
0x2: {  	s1 =	rddreg [dreg:$0x1];
	s3 =	simm.s32 $0x0;
	s2 =	srdreg.scid  }
0x3: {  	s12 =	stileid.u32;
	s18 =	simm.s32 $0x3;
	s19 =	simm.s32 $0x80  }
0x4: {  	s20 =	simm.s32 $0x100;
	s21 =	simm.s32 $0x4100;
	s22 =	simm.s32 $0x4180  }
0x5: {  	[smem:$0x7FF] =	sst s3;
	s4 =	sadd.s32 $0x1AC00, s0;
	s5 =	smul.u32 $0x2800, s12  }
0x6: {  	s2 =	sand.u32 $0x1, s2;
	s10 =	sadd.s32 $0x4800, s0;
	s8 =	smul.u32 $0x50000, s12  }
0x7: {  	s11 =	sadd.s32 $0xE600, s0;
	s7 =	sadd.s32 $0x18400, s0;
	s9 =	smul.u32 $0x12, s12  }
0x8: {  	s28 =	sshll.u32 s12, $0x6;
	_ =	strace $0x8000004A;
	s6 =	smul.u32 $0x28000, s2  }
0x9: {  	[dreg:$0x3] =	wrdreg s7;
	s23 =	ssub.s32 $0x2, s2;
	p0 =	seq.s32 s2, $0x0  }
0xa: {  	s7 =	simm.s32 $0x8C;
	s24 =	sshrl.u32 s23, $0x1;
	s26 =	sshrl.u32 s8, $0x2  }
0xb: {  	s2 =	sadd.s32 $0x8C0, s9;
	s7 =	simm.s32 @!p0 $0x12;
	s5 =	sadd.s32 s5, s6  }
0xc: {  	s25 =	ssub.s32 s23, s24;
	s6 =	smul.u32 $0x8C, s12;
	s17 =	sadd.s32 s26, s1  }
0xd: {  	s12 =	sshrl.u32 s7, $0x1;
	s23 =	simm.s32 $0x4200;
	s24 =	simm.s32 $0x1  }
0xe: {  	s26 =	simm.s32 $0x0;
	s0 =	sadd.s32 s5, s0;
	s2 =	smov.u32 @p0 s6  }
0xf: {  	s14 =	smax.u32 s25, $0x1;
	s17 =	sshrl.u32 s17, $0x3;
	s2 =	sshll.u32 s2, $0x4  }
0x10: {  	s25 =	simm.s32 $0x2;
	s6 =	sor.u32 $0x1C03, s28;
	s29 =	sor.u32 $0x10, s2  }
0x11: {  	s13 =	sadd.s32 $0x41E00, s0;
	s8 =	sadd.s32 s10, s2;
	s30 =	sadd.s32 s10, s29  }
0x12: {  	s9 =	sadd.s32 s11, s2;
	s31 =	sadd.s32 s11, s29;
	[dreg:$0x4] =	wrdreg s30  }
0x13: {  	s15 =	sadd.s32 $0x20, s9;
	s16 =	sadd.s32 $0x20, s8;
	[dreg:$0x5] =	wrdreg s31  }
.LBB2_1:
0x14: {  	s0 =	rddreg [dreg:$0x3]  }
0x15: {  	[spmem:s17], [sflag:s6] =	dma.local [hbm:s0], $0x2800  }
0x16: {  	_ =	swait.ge [sflag:s18], $0x2800  }
0x17: {  	[sflag:s18] =	ssyncset.done $0x0  }
0x18: {  	[sflag:s18] =	ssyncadd.s32 $0xFFFFD800  }
0x19: {  	[bflag:$0x0] =	sbarrier.arrive $0xFFFF  }
0x1a: {  	[tilespmem:s3], [sflag:$0x3] =	stream.linear.gather [hbm4b:s8+s3], $0x80, $0x38;
	[tilespmem:$0x1C200] =	vst v63  }
0x1b: {  	_ =	swait.ge [sflag:s18], $0x80  }
0x1c: {  	[sflag:s18] =	ssyncset.done $0x0  }
0x1d: {  	[sflag:s18] =	ssyncadd.s32 $0xFFFFFF80  }
0x1e: {  	[tilespmem:s19], [sflag:$0x3] =	stream.linear.gather [hbm4b:s9+s3], $0x80, $0x38;
	[tilespmem:$0x1C200] =	vst v63  }
0x1f: {  	_ =	swait.ge [sflag:s18], $0x80  }
0x20: {  	[sflag:s18] =	ssyncset.done $0x0  }
0x21: {  	[sflag:s18] =	ssyncadd.s32 $0xFFFFFF80  }
0x22: {  	[tilespmem:s20], [sflag:$0x1] =	stream.indirect.gather [hbm4b:s4+s19], $0x80, s3, s19, $0xb8;
	[tilespmem:$0x1C200] =	vst v63  }
0x23: {  	s10 =	rddreg [dreg:$0x4]  }
0x24: {  	[tilespmem:s21], [sflag:$0x3] =	stream.linear.gather [hbm4b:s10+s3], $0x80, $0x38;
	[tilespmem:$0x1C200] =	vst v63  }
0x25: {  	_ =	swait.ge [sflag:s18], $0x80  }
0x26: {  	[sflag:s18] =	ssyncset.done $0x0  }
0x27: {  	s11 =	rddreg [dreg:$0x5];
	[sflag:s18] =	ssyncadd.s32 $0xFFFFFF80  }
0x28: {  	[tilespmem:s22], [sflag:$0x3] =	stream.linear.gather [hbm4b:s11+s3], $0x80, $0x38;
	[tilespmem:$0x1C200] =	vst v63  }
0x29: {  	_ =	swait.ge [sflag:s18], $0x80  }
0x2a: {  	[sflag:s18] =	ssyncset.done $0x0  }
0x2b: {  	[sflag:s18] =	ssyncadd.s32 $0xFFFFFF80  }
0x2c: {  	[tilespmem:s23], [sflag:$0x2] =	stream.indirect.gather [hbm4b:s4+s19], $0x80, s21, s19, $0xb8;
	[tilespmem:$0x1C200] =	vst v63  }
0x2d: {  	_ =	swait.ge [sflag:s24], $0x4000  }
0x2e: {  	[sflag:s24] =	ssyncset.done $0x0  }
0x2f: {  	[sflag:s24] =	ssyncadd.s32 $0xFFFFC000  }
0x30: {  	[spmem:s1] =	stream.indirect.scatter.add.f32 [tilespmem:s20], [sflag:$0x3], $0x80, s19, s19, $0xb8;
	[tilespmem:$0x1C200] =	vst v63  }
0x31: {  	_ =	swait.ge [sflag:s18], $0x4000  }
0x32: {  	p0 =	sle.u32 s7, $0x2;
	[sflag:s18] =	ssyncset.done $0x0  }
0x33: {  	s0 =	simm.s32 @!p0 $0x0;
	s2 =	simm.s32 @!p0 $0x3;
	[sflag:s18] =	ssyncadd.s32 $0xFFFFC000  }
0x34: {  	[tilespmem:s0], [sflag:$0x3] =	stream.linear.gather @!p0 [hbm4b:s16+s0], $0x80, $0x38;
	[tilespmem:$0x1C200] =	vst v63  }
0x35: {  	_ =	swait.ge @!p0 [sflag:s2], $0x80  }
0x36: {  	[sflag:s2] =	ssyncset.done @!p0 $0x0  }
0x37: {  	s5 =	simm.s32 @!p0 $0x80;
	[sflag:s2] =	ssyncadd.s32 @!p0 $0xFFFFFF80  }
0x38: {  	[tilespmem:s5], [sflag:$0x3] =	stream.linear.gather @!p0 [hbm4b:s15+s0], $0x80, $0x38;
	[tilespmem:$0x1C200] =	vst v63  }
0x39: {  	_ =	swait.ge @!p0 [sflag:s2], $0x80  }
0x3a: {  	[sflag:s2] =	ssyncset.done @!p0 $0x0  }
0x3b: {  	s10 =	simm.s32 @!p0 $0x100;
	[sflag:s2] =	ssyncadd.s32 @!p0 $0xFFFFFF80  }
0x3c: {  	[tilespmem:s10], [sflag:$0x1] =	stream.indirect.gather @!p0 [hbm4b:s4+s5], $0x80, s0, s5, $0xb8;
	[tilespmem:$0x1C200] =	vst v63  }
0x3d: {  	_ =	swait.ge [sflag:s25], $0x4000  }
0x3e: {  	[sflag:s25] =	ssyncset.done $0x0  }
0x3f: {  	[sflag:s25] =	ssyncadd.s32 $0xFFFFC000  }
0x40: {  	[spmem:s1] =	stream.indirect.scatter.add.f32 [tilespmem:s23], [sflag:$0x3], $0x80, s22, s19, $0xb8;
	[tilespmem:$0x1C200] =	vst v63  }
0x41: {  	p1 =	sle.u32 s7, $0x3;
	s28 =	sadd.s32 $0xFFFFFFFF, s12;
	_ =	swait.ge [sflag:s18], $0x4000  }
0x42: {  	s2 =	simm.s32 @!p1 $0x3;
	s5 =	sadd.s32 @!p1 $0x10, s16;
	[sflag:s18] =	ssyncset.done $0x0  }
0x43: {  	s10 =	simm.s32 @!p1 $0x0;
	s0 =	simm.s32 @!p1 $0x4100;
	[sflag:s18] =	ssyncadd.s32 $0xFFFFC000  }
0x44: {  	[tilespmem:s0], [sflag:$0x3] =	stream.linear.gather @!p1 [hbm4b:s5+s10], $0x80, $0x38;
	[tilespmem:$0x1C200] =	vst v63  }
0x45: {  	p0 =	sne.s32 s28, $0x0;
	_ =	swait.ge @!p1 [sflag:s2], $0x80  }
.Ltmp0:
0x46: {  	s30 =	simm.s32 $0x4;
	[sflag:s2] =	ssyncset.done @!p1 $0x0;
	(pc) =	sbr.rel @!p0 .LBB2_3-.Ltmp0, $4  }
0x47: {  	s29 =	sadd.s32 @!p1 $0x10, s15;
	s5 =	simm.s32 @!p1 $0x4180;
	[sflag:s2] =	ssyncadd.s32 @!p1 $0xFFFFFF80  }
0x48: {  	[tilespmem:s5], [sflag:$0x3] =	stream.linear.gather @!p1 [hbm4b:s29+s10], $0x80, $0x38;
	[tilespmem:$0x1C200] =	vst v63  }
0x49: {  	s31 =	smov.u32 s15;
	s29 =	sadd.s32 $0x20, s16;
	_ =	swait.ge @!p1 [sflag:s2], $0x80  }
0x4a: {  	s5 =	simm.s32 @!p1 $0x80;
	s10 =	simm.s32 @!p1 $0x4200;
	[sflag:s2] =	ssyncset.done @!p1 $0x0  }
.LBB2_2:
0x4b: {  	s28 =	sadd.s32 $0xFFFFFFFF, s28;
	[sflag:s2] =	ssyncadd.s32 @!p1 $0xFFFFFF80;
	s31 =	sadd.s32 $0x20, s31  }
0x4c: {  	[tilespmem:s10], [sflag:$0x2] =	stream.indirect.gather @!p1 [hbm4b:s4+s5], $0x80, s0, s5, $0xb8;
	[tilespmem:$0x1C200] =	vst v63  }
0x4d: {  	p0 =	sne.s32 s28, $0x0;
	_ =	swait.ge [sflag:s24], $0x4000  }
0x4e: {  	[sflag:s24] =	ssyncset.done $0x0  }
0x4f: {  	[sflag:s24] =	ssyncadd.s32 $0xFFFFC000  }
0x50: {  	[spmem:s1] =	stream.indirect.scatter.add.f32 [tilespmem:s20], [sflag:$0x3], $0x80, s19, s19, $0xb8;
	[tilespmem:$0x1C200] =	vst v63  }
0x51: {  	p1 =	sge.u32 s30, s7;
	_ =	swait.ge [sflag:s18], $0x4000  }
0x52: {  	s0 =	simm.s32 @!p1 $0x0;
	s2 =	simm.s32 @!p1 $0x3;
	[sflag:s18] =	ssyncset.done $0x0  }
0x53: {  	[sflag:s18] =	ssyncadd.s32 $0xFFFFC000  }
0x54: {  	[tilespmem:s0], [sflag:$0x3] =	stream.linear.gather @!p1 [hbm4b:s29+s0], $0x80, $0x38;
	[tilespmem:$0x1C200] =	vst v63  }
0x55: {  	_ =	swait.ge @!p1 [sflag:s2], $0x80  }
0x56: {  	s5 =	simm.s32 @!p1 $0x80;
	[sflag:s2] =	ssyncset.done @!p1 $0x0  }
0x57: {  	[sflag:s2] =	ssyncadd.s32 @!p1 $0xFFFFFF80  }
0x58: {  	[tilespmem:s5], [sflag:$0x3] =	stream.linear.gather @!p1 [hbm4b:s31+s0], $0x80, $0x38;
	[tilespmem:$0x1C200] =	vst v63  }
0x59: {  	_ =	swait.ge @!p1 [sflag:s2], $0x80  }
0x5a: {  	s10 =	simm.s32 @!p1 $0x100;
	[sflag:s2] =	ssyncset.done @!p1 $0x0  }
0x5b: {  	[sflag:s2] =	ssyncadd.s32 @!p1 $0xFFFFFF80  }
0x5c: {  	[tilespmem:s10], [sflag:$0x1] =	stream.indirect.gather @!p1 [hbm4b:s4+s5], $0x80, s0, s5, $0xb8;
	[tilespmem:$0x1C200] =	vst v63  }
0x5d: {  	_ =	swait.ge [sflag:s25], $0x4000  }
0x5e: {  	[sflag:s25] =	ssyncset.done $0x0  }
0x5f: {  	s0 =	sadd.s32 $0x1, s30;
	[sflag:s25] =	ssyncadd.s32 $0xFFFFC000  }
0x60: {  	[spmem:s1] =	stream.indirect.scatter.add.f32 [tilespmem:s23], [sflag:$0x3], $0x80, s22, s19, $0xb8;
	[tilespmem:$0x1C200] =	vst v63  }
0x61: {  	p1 =	sge.u32 s0, s7;
	_ =	swait.ge [sflag:s18], $0x4000  }
0x62: {  	s5 =	sadd.s32 @!p1 $0x10, s29;
	s10 =	simm.s32 @!p1 $0x0;
	[sflag:s18] =	ssyncset.done $0x0  }
0x63: {  	s0 =	simm.s32 @!p1 $0x4100;
	s2 =	simm.s32 @!p1 $0x3;
	[sflag:s18] =	ssyncadd.s32 $0xFFFFC000  }
0x64: {  	[tilespmem:s0], [sflag:$0x3] =	stream.linear.gather @!p1 [hbm4b:s5+s10], $0x80, $0x38;
	[tilespmem:$0x1C200] =	vst v63  }
0x65: {  	s5 =	simm.s32 @!p1 $0x4180;
	_ =	swait.ge @!p1 [sflag:s2], $0x80  }
.Ltmp1:
0x66: {  	s11 =	sadd.s32 @!p1 $0x10, s31;
	[sflag:s2] =	ssyncset.done @!p1 $0x0;
	(pc) =	sbr.rel @p0 .LBB2_2-.Ltmp1, $4  }
0x67: {  	[sflag:s2] =	ssyncadd.s32 @!p1 $0xFFFFFF80  }
0x68: {  	[tilespmem:s5], [sflag:$0x3] =	stream.linear.gather @!p1 [hbm4b:s11+s10], $0x80, $0x38;
	[tilespmem:$0x1C200] =	vst v63  }
0x69: {  	s30 =	sadd.s32 $0x2, s30;
	s29 =	sadd.s32 $0x20, s29;
	_ =	swait.ge @!p1 [sflag:s2], $0x80  }
0x6a: {  	s5 =	simm.s32 @!p1 $0x80;
	s10 =	simm.s32 @!p1 $0x4200;
	[sflag:s2] =	ssyncset.done @!p1 $0x0  }
.LBB2_3:
0x6b: {  	[sflag:s2] =	ssyncadd.s32 @!p1 $0xFFFFFF80;
	s26 =	sadd.s32 $0x1, s26  }
0x6c: {  	[tilespmem:s10], [sflag:$0x2] =	stream.indirect.gather @!p1 [hbm4b:s4+s5], $0x80, s0, s5, $0xb8;
	[tilespmem:$0x1C200] =	vst v63  }
0x6d: {  	p0 =	sne.s32 s26, s14  }
.Ltmp2:
0x6e: {  	[bflag:$0x0] =	sbarrier.arrive $0xFFFF;
	(pc) =	sbr.rel @p0 .LBB2_1-.Ltmp2, $4  }
0x6f: {  	[hbm:s13], [sflag:s6] =	dma.local [spmem:s17], $0x2800  }
0x70: {  	_ =	swait.ge [sflag:s18], $0x2800  }
0x71: {  	[sflag:s18] =	ssyncset.done $0x0  }
0x72: {  	[sflag:s18] =	ssyncadd.s32 $0xFFFFD800  }
0x73: {  	_ =	sfence.sel $0x180000  }
0x74: {  	[bflag:$0x0] =	sbarrier.arrive $0xFFFF  }
0x75: {  	_ =	strace $0x9000004A  }
0x76: {  	s0 =	stileid.u32;
	[bflag:$0x2] =	sbarrier.arrive $0xFFFF  }
0x77: {  	p0 =	sne.s32 s0, $0x0;
	s0 =	rddreg [dreg:$0x2]  }
0x78: {  	s0 =	sadd.s32 @!p0 $0x100000, s0  }
0x79: {  	[sflag:s0] =	ssyncadd.tile.s32 @!p0 $0x1;
	_ =	shalt  }
.Lfunc_end2:
_tile_overlayer_lowered:
.L_overlay_start_2:
0x7a: {  	(tag) =	ssettag $0x2  }
0x7b: {  	s0 =	rddreg [dreg:$0x0];
	s2 =	stileid.u32  }
0x7c: {  	s1 =	rddreg [dreg:$0x1];
	p0 =	sne.s32 s2, $0x0  }
0x7d: {  	s3 =	rddreg [dreg:$0x2];
	[bflag:$0x3] =	sbarrier.arrive $0xFFFF;
	s2 =	simm.s32 @!p0 $0x1C03  }
0x7e: {  	[timem:s3], [sflag:s2] =	dma.local @!p0 [hbm:s0], s1  }
0x7f: {  	s0 =	simm.s32 @!p0 $0x3  }
0x80: {  	_ =	swait.ge @!p0 [sflag:s0], s1  }
0x81: {  	s1 =	ssub.s32 @!p0 $0x0, s1;
	[sflag:s0] =	ssyncset.done @!p0 $0x0  }
0x82: {  	[sflag:s0] =	ssyncadd.s32 @!p0 s1  }
0x83: {  	[bflag:$0x3] =	sbarrier.arrive $0xFFFF  }
0x84: {  	_ =	shalt  }

// kernel: kernel.7.cloned.1.call-start
scs
__scs_entry_jumppad:
0x0: {  	(pc) =	sbr.rel $0x88, $3  }
0x1: {  	(tag) =	ssettag $0x0;
	lr =	simm.s32 $0x1  }
0x2: {  	[smem:$0x3F87] =	sst lr;
	_ =	strace $0xD0000000  }
0x3: {  	_ = 	snop  }
0x4: {  	_ = 	snop  }
0x5: {  	_ = 	snop  }
0x6: {  	_ = 	snop  }
0x7: {  	_ = 	snop  }
__scs_overlays_trampoline_lowered:
0x8: {  	[smem:$0x3F96] =	sst s0  }
0x9: {  	[smem:$0x3F97] =	sst s1  }
0xa: {  	[smem:$0x3F98] =	sst s2  }
0xb: {  	[smem:$0x3F99] =	sst s3  }
0xc: {  	[smem:$0x3F9A] =	sst s4  }
0xd: {  	[smem:$0x3F9B] =	sst s5  }
0xe: {  	[smem:$0x3F9C] =	sst s6  }
0xf: {  	[smem:$0x3F9D] =	sst s7  }
0x10: {  	[smem:$0x3F9E] =	sst s8  }
0x11: {  	[smem:$0x3F9F] =	sst s9;
	s0 =	simm.s32 @!p0 $0x0  }
0x12: {  	s1 =	sld [smem:$0x3F85];
	s0 =	simm.s32 @p0 $0x1  }
0x13: {  	[smem:$0x3FA0] =	sst s0;
	s0 =	simm.s32 @!p1 $0x0  }
0x14: {  	s2 =	sld [smem:$0x3F84];
	s0 =	simm.s32 @p1 $0x1  }
0x15: {  	[smem:$0x3FA1] =	sst s0;
	s0 =	simm.s32 @!p2 $0x0  }
0x16: {  	s3 =	sld [smem:$0x3FDB];
	s0 =	simm.s32 @p2 $0x1  }
0x17: {  	s4 =	simm.s32 $0x1BF5;
	[smem:$0x3FA3] =	sst s0  }
0x18: {  	s0 =	sld [smem:$0x3F86];
	_ =	swait.ge [sflag:s4], $0x0  }
0x19: {  	s7 =	sld [smem:$0x3F87]  }
0x1a: {  	s8 =	sadd.s32 $0xFFFFE003, lr  }
0x1b: {  	s9 =	sadd.s32 $0xFFFFFEF7, lr;
	s5 =	simm.s32 $0xFFFFFFFF;
	p2 =	slt.u32 s8, $0xFFFFF086  }
0x1c: {  	p1 =	slt.u32 s9, $0xF7A;
	s5 =	simm.s32 @!p2 $0x0  }
0x1d: {  	s5 =	simm.s32 @p1 $0x1;
	p0 =	seq.s32 s7, s2  }
0x1e: {  	s7 =	smul.u32 @!p0 $0xF7A, s2;
	p2 =	seq.s32 @!p0 s5, $0x0  }
0x1f: {  	s9 =	smul.u32 $0xF7A, s1;
	s8 =	simm.s32 @!p0 $0x1BF5;
	p2 =	por !p2, p0  }
0x20: {  	[sflag:s8] =	ssyncset.s32 @!p0 $0xFFFFF086;
	s6 =	sadd.s32 @!p0 s3, s7;
	s7 =	simm.s32 @!p0 $0x108  }
0x21: {  	s3 =	sadd.s32 s3, s9;
	s6 =	sadd.s32 @!p0 $0x88, s6;
	s7 =	simm.s32 @p2 $0x1082  }
0x22: {  	[simem:s7], [sflag:s8] =	dma.local @!p0 [hbm:s6], $0xF7A  }
0x23: {  	s9 =	sor.u32 $0xD0000000, s2;
	s6 =	simm.s32 $0x108;
	_ =	swait.ge @!p0 [sflag:s8], $0x0  }
0x24: {  	s3 =	sadd.s32 $0x88, s3;
	s6 =	simm.s32 @!p1 $0x1082;
	[sflag:s4] =	ssyncset.s32 $0xFFFFF086  }
0x25: {  	[simem:s6], [sflag:s4] =	dma.local [hbm:s3], $0xF7A  }
0x26: {  	[smem:$0x3F87] =	sst s1;
	(tag) =	ssettag s2;
	_ =	strace s9  }
0x27: {  	s1 =	sld [smem:$0x3F97]  }
0x28: {  	s2 =	sld [smem:$0x3F98]  }
0x29: {  	s4 =	sld [smem:$0x3F9A]  }
0x2a: {  	p0 =	seq.s32 s5, $0x0;
	s5 =	sld [smem:$0x3F9B]  }
0x2b: {  	s6 =	sld [smem:$0x3F9C]  }
0x2c: {  	s7 =	sld [smem:$0x3F9D]  }
0x2d: {  	s3 =	simm.s32 $0x108;
	s8 =	sld [smem:$0x3F9E]  }
0x2e: {  	s3 =	simm.s32 @!p0 $0x1082;
	s9 =	sld [smem:$0x3F9F]  }
0x2f: {  	lr =	sadd.s32 s0, s3;
	s0 =	sld [smem:$0x3F96]  }
0x30: {  	s3 =	sld [smem:$0x3F99]  }
0x31: {  	[smem:$0x3FA2] =	sst s10  }
0x32: {  	s10 =	sld [smem:$0x3FA0];
	_ =	sdelay $0x3  }
0x33: {  	p0 =	seq.s32 s10, $0x1;
	s10 =	sld [smem:$0x3FA2];
	_ =	sdelay $0x3  }
0x34: {  	[smem:$0x3FA2] =	sst s10  }
0x35: {  	s10 =	sld [smem:$0x3FA1];
	_ =	sdelay $0x3  }
0x36: {  	p1 =	seq.s32 s10, $0x1;
	s10 =	sld [smem:$0x3FA2];
	_ =	sdelay $0x3  }
0x37: {  	[smem:$0x3FA2] =	sst s10  }
0x38: {  	s10 =	sld [smem:$0x3FA3]  }
0x39: {  	_ = 	snop;
	(pc) =	sbr.ind lr, $3  }
0x3a: {  	_ = 	snop  }
0x3b: {  	_ = 	snop  }
0x3c: {  	p2 =	seq.s32 s10, $0x1;
	s10 =	sld [smem:$0x3FA2]  }
0x3d: {  	_ =	shalt  }
0x3e: {  	_ =	shalt  }
0x3f: {  	_ =	shalt  }
0x40: {  	_ =	shalt  }
0x41: {  	_ =	shalt  }
0x42: {  	_ =	shalt  }
0x43: {  	_ =	shalt  }
0x44: {  	_ =	shalt  }
0x45: {  	_ =	shalt  }
0x46: {  	_ =	shalt  }
0x47: {  	_ =	shalt  }
0x48: {  	_ =	shalt  }
0x49: {  	_ =	shalt  }
0x4a: {  	_ =	shalt  }
0x4b: {  	_ =	shalt  }
0x4c: {  	_ =	shalt  }
0x4d: {  	_ =	shalt  }
0x4e: {  	_ =	shalt  }
0x4f: {  	_ =	shalt  }
0x50: {  	_ =	shalt  }
0x51: {  	_ =	shalt  }
0x52: {  	_ =	shalt  }
0x53: {  	_ =	shalt  }
0x54: {  	_ =	shalt  }
0x55: {  	_ =	shalt  }
0x56: {  	_ =	shalt  }
0x57: {  	_ =	shalt  }
0x58: {  	_ =	shalt  }
0x59: {  	_ =	shalt  }
0x5a: {  	_ =	shalt  }
0x5b: {  	_ =	shalt  }
0x5c: {  	_ =	shalt  }
0x5d: {  	_ =	shalt  }
0x5e: {  	_ =	shalt  }
0x5f: {  	_ =	shalt  }
0x60: {  	_ =	shalt  }
0x61: {  	_ =	shalt  }
0x62: {  	_ =	shalt  }
0x63: {  	_ =	shalt  }
0x64: {  	_ =	shalt  }
0x65: {  	_ =	shalt  }
0x66: {  	_ =	shalt  }
0x67: {  	_ =	shalt  }
0x68: {  	_ =	shalt  }
0x69: {  	_ =	shalt  }
0x6a: {  	_ =	shalt  }
0x6b: {  	_ =	shalt  }
0x6c: {  	_ =	shalt  }
0x6d: {  	_ =	shalt  }
0x6e: {  	_ =	shalt  }
0x6f: {  	_ =	shalt  }
0x70: {  	_ =	shalt  }
0x71: {  	_ =	shalt  }
0x72: {  	_ =	shalt  }
0x73: {  	_ =	shalt  }
0x74: {  	_ =	shalt  }
0x75: {  	_ =	shalt  }
0x76: {  	_ =	shalt  }
0x77: {  	_ =	shalt  }
0x78: {  	_ =	shalt  }
0x79: {  	_ =	shalt  }
0x7a: {  	_ =	shalt  }
0x7b: {  	_ =	shalt  }
0x7c: {  	_ =	shalt  }
0x7d: {  	_ =	shalt  }
0x7e: {  	_ =	shalt  }
0x7f: {  	_ =	shalt  }
0x80: {  	_ =	shalt  }
0x81: {  	_ =	shalt  }
0x82: {  	_ =	shalt  }
0x83: {  	_ =	shalt  }
0x84: {  	_ =	shalt  }
0x85: {  	_ =	shalt  }
0x86: {  	_ =	shalt  }
0x87: {  	_ =	shalt  }
.Lfunc_end0:
.L_simem_size_0:
called_computation_lowered:
.L_overlay_start_0:
0x88: {  	s2 =	sld [smem:$0x3FD9]  }
0x89: {  	s3 =	sld [smem:$0x3FFE];
	_ =	sdelay $0x1  }
0x8a: {  	s1 =	srdreg.scid  }
0x8b: {  	s0 =	sand.u32 $0x1, s1  }
0x8c: {  	s17 =	sshll.u32 s0, $0xA;
	s2 =	sadd.s32 s3, s2  }
0x8d: {  	s2 =	sadd.s32 s2, s17  }
0x8e: {  	[smem:$0x3FAE] =	sst s2  }
0x8f: {  	_ = 	snop  }
0x90: {  	s2 =	sld [smem:$0x3FC9];
	(tm) =	ssettm $0x1  }
0x91: {  	s18 =	sld [smem:$0x3FFB];
	_ =	sdelay $0x3  }
0x92: {  	_ =	strace s18  }
0x93: {  	s3 =	sld [smem:$0x3FFC];
	_ =	sdelay $0x3  }
0x94: {  	_ =	strace s3  }
0x95: {  	s3 =	sld [smem:$0x3FFD];
	_ =	sdelay $0x3  }
0x96: {  	_ =	strace s3  }
0x97: {  	_ =	strace $0x8FFFFFFF  }
0x98: {  	s19 =	sld [smem:$0x3FDB];
	_ =	sdelay $0x1  }
0x99: {  	s4 =	simm.s32 $_scs_section_size  }
0x9a: {  	s5 =	simm.s32 $_size__tile_overlayer_lowered;
	s6 =	simm.s32 $_tile_overlayer_lowered  }
0x9b: {  	s22 =	simm.s32 $0x1BFF;
	s21 =	sshll.u32 s6, $0x1;
	s3 =	sadd.s32 s4, s19  }
0x9c: {  	s7 =	simm.s32 $0x0;
	s20 =	sshll.u32 s5, $0x1;
	s5 =	sadd.s32 s21, s3  }
0x9d: {  	[timem:s7], [sflag:s22] =	dma.local [hbm:s5], s20  }
0x9e: {  	_ =	swait.ge [sflag:s22], s20  }
0x9f: {  	s4 =	ssub.s32 $0x0, s20;
	[sflag:s22] =	ssyncset.done $0x0  }
0xa0: {  	[sflag:s22] =	ssyncadd.s32 s4;
	_ =	sdelay $0x1  }
0xa1: {  	s23 =	simm.s32 $0x1B8B  }
0xa2: {  	_ =	swait.ge [sflag:s23], $0x1  }
0xa3: {  	[sflag:s23] =	ssyncset.done $0x0  }
0xa4: {  	s25 =	simm.s32 $0x1B8E;
	s24 =	sld [smem:$0x3FFE];
	[sflag:s23] =	ssyncadd.s32 $0xFFFFFFFF  }
0xa5: {  	s26 =	simm.s32 $execute0_lowered;
	[smem:$0x3FD2] =	sst s25  }
0xa6: {  	s5 =	sshll.u32 s26, $0x1;
	_ =	strace $0x80000046;
	[dreg:$0x1] =	wrdreg $0xFFFFFFFF  }
0xa7: {  	s28 =	simm.s32 $_size_execute0_lowered;
	s3 =	sadd.s32 s3, s5;
	[dreg:$0x0] =	wrdreg $0x0  }
0xa8: {  	s5 =	sshll.u32 s28, $0x1;
	[dreg:$0x2] =	wrdreg s3  }
0xa9: {  	[dreg:$0x3] =	wrdreg s5  }
0xaa: {  	[dreg:$0x4] =	wrdreg $0xC0  }
0xab: {  	_ =	task [dreg:s7], $0x5FFFF  }
0xac: {  	[dreg:$0x1] =	wrdreg $0xFFFFFFFF  }
0xad: {  	[dreg:$0x0] =	wrdreg $0x60  }
0xae: {  	[dreg:$0x2] =	wrdreg s2  }
0xaf: {  	[dreg:$0x3] =	wrdreg s24  }
0xb0: {  	[dreg:$0x4] =	wrdreg $0x82000  }
0xb1: {  	[dreg:$0x5] =	wrdreg $0x9  }
0xb2: {  	_ =	task.clear_ibuf [dreg:s7], $0x6FFFF;
	_ =	strace $0x90000046  }
0xb3: {  	s29 =	simm.s32 $0x9;
	_ =	strace $0x80000048  }
0xb4: {  	_ =	swait.ge [sflag:s29], $0x1  }
0xb5: {  	[sflag:s29] =	ssyncadd.s32 $0xFFFFFFFF  }
0xb6: {  	_ =	strace $0x90000048  }
0xb7: {  	_ =	sfence  }
0xb8: {  	s30 =	sld [smem:$0x0];
	_ =	sdelay $0x2  }
0xb9: {  	s31 =	sshll.u32 s1, $0xD;
	s1 =	sshrl.u32 s1, $0x2  }
0xba: {  	s3 =	sand.u32 $0x4000, s31;
	s1 =	sadd.s32 s1, s30  }
0xbb: {  	s0 =	sor.u32 s3, s0;
	s1 =	sshll.u32 s1, $0x11  }
0xbc: {  	s0 =	sor.u32 s1, s0  }
0xbd: {  	s0 =	sadd.s32 $0x8F2B, s0  }
0xbe: {  	[sflag:s0] =	ssyncadd.remote.s32 $0x1  }
0xbf: {  	_ =	sfence.sel $0xFFFF  }
0xc0: {  	[dreg:$0x0] =	wrdreg $0xFFFFFFFF;
	(pc) =	sbr.abs _section_cstart, $3  }
0xc1: {  	[dreg:$0x1] =	wrdreg $0xFFFFFFFF  }
0xc2: {  	_ =	task.clear_ibuf [dreg:s7], $0x2FFFF;
	_ =	strace $0x9FFFFFFF  }
0xc3: {  	(tm) =	ssettm $0x7FFFFFFF  }
tec
execute0_lowered:
.L_overlay_start_1:
0x0: {  	(tag) =	ssettag $0x1  }
0x1: {  	s1 =	rddreg [dreg:$0x0]  }
0x2: {  	s0 =	rddreg [dreg:$0x1]  }
0x3: {  	s2 =	rddreg [dreg:$0x2];
	s4 =	simm.s32 $0x0  }
0x4: {  	s3 =	srdreg.scid;
	s12 =	stileid.u32;
	s18 =	simm.s32 $0x3  }
0x5: {  	s19 =	simm.s32 $0x80;
	s20 =	simm.s32 $0x100;
	s21 =	simm.s32 $0x4100  }
0x6: {  	s22 =	simm.s32 $0x4180;
	[smem:$0x7FF] =	sst s4;
	s5 =	smul.u32 $0x2800, s12  }
0x7: {  	s3 =	sand.u32 $0x1, s3;
	s10 =	sadd.s32 $0x4800, s0;
	s8 =	smul.u32 $0x50000, s12  }
0x8: {  	s11 =	sadd.s32 $0xE600, s0;
	s7 =	sadd.s32 $0x18400, s0;
	s9 =	smul.u32 $0x12, s12  }
0x9: {  	s28 =	sshll.u32 s12, $0x6;
	_ =	strace $0x80000047;
	s6 =	smul.u32 $0x28000, s3  }
0xa: {  	[dreg:$0x4] =	wrdreg s7;
	s23 =	ssub.s32 $0x2, s3;
	p0 =	seq.s32 s3, $0x0  }
0xb: {  	s7 =	simm.s32 $0x8C;
	s24 =	sshrl.u32 s23, $0x1;
	s26 =	sshrl.u32 s8, $0x2  }
0xc: {  	s3 =	sadd.s32 $0x8C0, s9;
	s7 =	simm.s32 @!p0 $0x12;
	s5 =	sadd.s32 s5, s6  }
0xd: {  	s25 =	ssub.s32 s23, s24;
	s6 =	smul.u32 $0x8C, s12;
	s17 =	sadd.s32 s26, s2  }
0xe: {  	s12 =	sshrl.u32 s7, $0x1;
	s23 =	simm.s32 $0x4200;
	s24 =	simm.s32 $0x1  }
0xf: {  	s26 =	simm.s32 $0x0;
	s0 =	sadd.s32 s5, s0;
	s3 =	smov.u32 @p0 s6  }
0x10: {  	s14 =	smax.u32 s25, $0x1;
	s17 =	sshrl.u32 s17, $0x3;
	s3 =	sshll.u32 s3, $0x4  }
0x11: {  	s25 =	simm.s32 $0x2;
	s6 =	sor.u32 $0x1C03, s28;
	s29 =	sor.u32 $0x10, s3  }
0x12: {  	s13 =	sadd.s32 $0x1AC00, s0;
	s8 =	sadd.s32 s10, s3;
	s30 =	sadd.s32 s10, s29  }
0x13: {  	s9 =	sadd.s32 s11, s3;
	s31 =	sadd.s32 s11, s29;
	[dreg:$0x5] =	wrdreg s30  }
0x14: {  	s15 =	sadd.s32 $0x20, s9;
	s16 =	sadd.s32 $0x20, s8;
	[dreg:$0x6] =	wrdreg s31  }
.LBB2_1:
0x15: {  	s0 =	rddreg [dreg:$0x4]  }
0x16: {  	[spmem:s17], [sflag:s6] =	dma.local [hbm:s0], $0x2800  }
0x17: {  	_ =	swait.ge [sflag:s18], $0x2800  }
0x18: {  	[sflag:s18] =	ssyncset.done $0x0  }
0x19: {  	[sflag:s18] =	ssyncadd.s32 $0xFFFFD800  }
0x1a: {  	[bflag:$0x0] =	sbarrier.arrive $0xFFFF  }
0x1b: {  	[tilespmem:s4], [sflag:$0x3] =	stream.linear.gather [hbm4b:s8+s4], $0x80, $0x38;
	[tilespmem:$0x1C200] =	vst v63  }
0x1c: {  	_ =	swait.ge [sflag:s18], $0x80  }
0x1d: {  	[sflag:s18] =	ssyncset.done $0x0  }
0x1e: {  	[sflag:s18] =	ssyncadd.s32 $0xFFFFFF80  }
0x1f: {  	[tilespmem:s19], [sflag:$0x3] =	stream.linear.gather [hbm4b:s9+s4], $0x80, $0x38;
	[tilespmem:$0x1C200] =	vst v63  }
0x20: {  	_ =	swait.ge [sflag:s18], $0x80  }
0x21: {  	[sflag:s18] =	ssyncset.done $0x0  }
0x22: {  	[sflag:s18] =	ssyncadd.s32 $0xFFFFFF80  }
0x23: {  	[tilespmem:s20], [sflag:$0x1] =	stream.indirect.gather [hbm4b:s1+s19], $0x80, s4, s19, $0xb8;
	[tilespmem:$0x1C200] =	vst v63  }
0x24: {  	s10 =	rddreg [dreg:$0x5]  }
0x25: {  	[tilespmem:s21], [sflag:$0x3] =	stream.linear.gather [hbm4b:s10+s4], $0x80, $0x38;
	[tilespmem:$0x1C200] =	vst v63  }
0x26: {  	_ =	swait.ge [sflag:s18], $0x80  }
0x27: {  	[sflag:s18] =	ssyncset.done $0x0  }
0x28: {  	s11 =	rddreg [dreg:$0x6];
	[sflag:s18] =	ssyncadd.s32 $0xFFFFFF80  }
0x29: {  	[tilespmem:s22], [sflag:$0x3] =	stream.linear.gather [hbm4b:s11+s4], $0x80, $0x38;
	[tilespmem:$0x1C200] =	vst v63  }
0x2a: {  	_ =	swait.ge [sflag:s18], $0x80  }
0x2b: {  	[sflag:s18] =	ssyncset.done $0x0  }
0x2c: {  	[sflag:s18] =	ssyncadd.s32 $0xFFFFFF80  }
0x2d: {  	[tilespmem:s23], [sflag:$0x2] =	stream.indirect.gather [hbm4b:s1+s19], $0x80, s21, s19, $0xb8;
	[tilespmem:$0x1C200] =	vst v63  }
0x2e: {  	_ =	swait.ge [sflag:s24], $0x4000  }
0x2f: {  	[sflag:s24] =	ssyncset.done $0x0  }
0x30: {  	[sflag:s24] =	ssyncadd.s32 $0xFFFFC000  }
0x31: {  	[spmem:s2] =	stream.indirect.scatter.add.f32 [tilespmem:s20], [sflag:$0x3], $0x80, s19, s19, $0xb8;
	[tilespmem:$0x1C200] =	vst v63  }
0x32: {  	_ =	swait.ge [sflag:s18], $0x4000  }
0x33: {  	p0 =	sle.u32 s7, $0x2;
	[sflag:s18] =	ssyncset.done $0x0  }
0x34: {  	s0 =	simm.s32 @!p0 $0x0;
	s3 =	simm.s32 @!p0 $0x3;
	[sflag:s18] =	ssyncadd.s32 $0xFFFFC000  }
0x35: {  	[tilespmem:s0], [sflag:$0x3] =	stream.linear.gather @!p0 [hbm4b:s16+s0], $0x80, $0x38;
	[tilespmem:$0x1C200] =	vst v63  }
0x36: {  	_ =	swait.ge @!p0 [sflag:s3], $0x80  }
0x37: {  	[sflag:s3] =	ssyncset.done @!p0 $0x0  }
0x38: {  	s5 =	simm.s32 @!p0 $0x80;
	[sflag:s3] =	ssyncadd.s32 @!p0 $0xFFFFFF80  }
0x39: {  	[tilespmem:s5], [sflag:$0x3] =	stream.linear.gather @!p0 [hbm4b:s15+s0], $0x80, $0x38;
	[tilespmem:$0x1C200] =	vst v63  }
0x3a: {  	_ =	swait.ge @!p0 [sflag:s3], $0x80  }
0x3b: {  	[sflag:s3] =	ssyncset.done @!p0 $0x0  }
0x3c: {  	s10 =	simm.s32 @!p0 $0x100;
	[sflag:s3] =	ssyncadd.s32 @!p0 $0xFFFFFF80  }
0x3d: {  	[tilespmem:s10], [sflag:$0x1] =	stream.indirect.gather @!p0 [hbm4b:s1+s5], $0x80, s0, s5, $0xb8;
	[tilespmem:$0x1C200] =	vst v63  }
0x3e: {  	_ =	swait.ge [sflag:s25], $0x4000  }
0x3f: {  	[sflag:s25] =	ssyncset.done $0x0  }
0x40: {  	[sflag:s25] =	ssyncadd.s32 $0xFFFFC000  }
0x41: {  	[spmem:s2] =	stream.indirect.scatter.add.f32 [tilespmem:s23], [sflag:$0x3], $0x80, s22, s19, $0xb8;
	[tilespmem:$0x1C200] =	vst v63  }
0x42: {  	p1 =	sle.u32 s7, $0x3;
	s28 =	sadd.s32 $0xFFFFFFFF, s12;
	_ =	swait.ge [sflag:s18], $0x4000  }
0x43: {  	s3 =	simm.s32 @!p1 $0x3;
	s5 =	sadd.s32 @!p1 $0x10, s16;
	[sflag:s18] =	ssyncset.done $0x0  }
0x44: {  	s10 =	simm.s32 @!p1 $0x0;
	s0 =	simm.s32 @!p1 $0x4100;
	[sflag:s18] =	ssyncadd.s32 $0xFFFFC000  }
0x45: {  	[tilespmem:s0], [sflag:$0x3] =	stream.linear.gather @!p1 [hbm4b:s5+s10], $0x80, $0x38;
	[tilespmem:$0x1C200] =	vst v63  }
0x46: {  	p0 =	sne.s32 s28, $0x0;
	_ =	swait.ge @!p1 [sflag:s3], $0x80  }
.Ltmp0:
0x47: {  	s30 =	simm.s32 $0x4;
	[sflag:s3] =	ssyncset.done @!p1 $0x0;
	(pc) =	sbr.rel @!p0 .LBB2_3-.Ltmp0, $4  }
0x48: {  	s29 =	sadd.s32 @!p1 $0x10, s15;
	s5 =	simm.s32 @!p1 $0x4180;
	[sflag:s3] =	ssyncadd.s32 @!p1 $0xFFFFFF80  }
0x49: {  	[tilespmem:s5], [sflag:$0x3] =	stream.linear.gather @!p1 [hbm4b:s29+s10], $0x80, $0x38;
	[tilespmem:$0x1C200] =	vst v63  }
0x4a: {  	s31 =	smov.u32 s15;
	s29 =	sadd.s32 $0x20, s16;
	_ =	swait.ge @!p1 [sflag:s3], $0x80  }
0x4b: {  	s5 =	simm.s32 @!p1 $0x80;
	s10 =	simm.s32 @!p1 $0x4200;
	[sflag:s3] =	ssyncset.done @!p1 $0x0  }
.LBB2_2:
0x4c: {  	s28 =	sadd.s32 $0xFFFFFFFF, s28;
	[sflag:s3] =	ssyncadd.s32 @!p1 $0xFFFFFF80;
	s31 =	sadd.s32 $0x20, s31  }
0x4d: {  	[tilespmem:s10], [sflag:$0x2] =	stream.indirect.gather @!p1 [hbm4b:s1+s5], $0x80, s0, s5, $0xb8;
	[tilespmem:$0x1C200] =	vst v63  }
0x4e: {  	p0 =	sne.s32 s28, $0x0;
	_ =	swait.ge [sflag:s24], $0x4000  }
0x4f: {  	[sflag:s24] =	ssyncset.done $0x0  }
0x50: {  	[sflag:s24] =	ssyncadd.s32 $0xFFFFC000  }
0x51: {  	[spmem:s2] =	stream.indirect.scatter.add.f32 [tilespmem:s20], [sflag:$0x3], $0x80, s19, s19, $0xb8;
	[tilespmem:$0x1C200] =	vst v63  }
0x52: {  	p1 =	sge.u32 s30, s7;
	_ =	swait.ge [sflag:s18], $0x4000  }
0x53: {  	s0 =	simm.s32 @!p1 $0x0;
	s3 =	simm.s32 @!p1 $0x3;
	[sflag:s18] =	ssyncset.done $0x0  }
0x54: {  	[sflag:s18] =	ssyncadd.s32 $0xFFFFC000  }
0x55: {  	[tilespmem:s0], [sflag:$0x3] =	stream.linear.gather @!p1 [hbm4b:s29+s0], $0x80, $0x38;
	[tilespmem:$0x1C200] =	vst v63  }
0x56: {  	_ =	swait.ge @!p1 [sflag:s3], $0x80  }
0x57: {  	s5 =	simm.s32 @!p1 $0x80;
	[sflag:s3] =	ssyncset.done @!p1 $0x0  }
0x58: {  	[sflag:s3] =	ssyncadd.s32 @!p1 $0xFFFFFF80  }
0x59: {  	[tilespmem:s5], [sflag:$0x3] =	stream.linear.gather @!p1 [hbm4b:s31+s0], $0x80, $0x38;
	[tilespmem:$0x1C200] =	vst v63  }
0x5a: {  	_ =	swait.ge @!p1 [sflag:s3], $0x80  }
0x5b: {  	s10 =	simm.s32 @!p1 $0x100;
	[sflag:s3] =	ssyncset.done @!p1 $0x0  }
0x5c: {  	[sflag:s3] =	ssyncadd.s32 @!p1 $0xFFFFFF80  }
0x5d: {  	[tilespmem:s10], [sflag:$0x1] =	stream.indirect.gather @!p1 [hbm4b:s1+s5], $0x80, s0, s5, $0xb8;
	[tilespmem:$0x1C200] =	vst v63  }
0x5e: {  	_ =	swait.ge [sflag:s25], $0x4000  }
0x5f: {  	[sflag:s25] =	ssyncset.done $0x0  }
0x60: {  	s0 =	sadd.s32 $0x1, s30;
	[sflag:s25] =	ssyncadd.s32 $0xFFFFC000  }
0x61: {  	[spmem:s2] =	stream.indirect.scatter.add.f32 [tilespmem:s23], [sflag:$0x3], $0x80, s22, s19, $0xb8;
	[tilespmem:$0x1C200] =	vst v63  }
0x62: {  	p1 =	sge.u32 s0, s7;
	_ =	swait.ge [sflag:s18], $0x4000  }
0x63: {  	s5 =	sadd.s32 @!p1 $0x10, s29;
	s10 =	simm.s32 @!p1 $0x0;
	[sflag:s18] =	ssyncset.done $0x0  }
0x64: {  	s0 =	simm.s32 @!p1 $0x4100;
	s3 =	simm.s32 @!p1 $0x3;
	[sflag:s18] =	ssyncadd.s32 $0xFFFFC000  }
0x65: {  	[tilespmem:s0], [sflag:$0x3] =	stream.linear.gather @!p1 [hbm4b:s5+s10], $0x80, $0x38;
	[tilespmem:$0x1C200] =	vst v63  }
0x66: {  	s5 =	simm.s32 @!p1 $0x4180;
	_ =	swait.ge @!p1 [sflag:s3], $0x80  }
.Ltmp1:
0x67: {  	s11 =	sadd.s32 @!p1 $0x10, s31;
	[sflag:s3] =	ssyncset.done @!p1 $0x0;
	(pc) =	sbr.rel @p0 .LBB2_2-.Ltmp1, $4  }
0x68: {  	[sflag:s3] =	ssyncadd.s32 @!p1 $0xFFFFFF80  }
0x69: {  	[tilespmem:s5], [sflag:$0x3] =	stream.linear.gather @!p1 [hbm4b:s11+s10], $0x80, $0x38;
	[tilespmem:$0x1C200] =	vst v63  }
0x6a: {  	s30 =	sadd.s32 $0x2, s30;
	s29 =	sadd.s32 $0x20, s29;
	_ =	swait.ge @!p1 [sflag:s3], $0x80  }
0x6b: {  	s5 =	simm.s32 @!p1 $0x80;
	s10 =	simm.s32 @!p1 $0x4200;
	[sflag:s3] =	ssyncset.done @!p1 $0x0  }
.LBB2_3:
0x6c: {  	[sflag:s3] =	ssyncadd.s32 @!p1 $0xFFFFFF80;
	s26 =	sadd.s32 $0x1, s26  }
0x6d: {  	[tilespmem:s10], [sflag:$0x2] =	stream.indirect.gather @!p1 [hbm4b:s1+s5], $0x80, s0, s5, $0xb8;
	[tilespmem:$0x1C200] =	vst v63  }
0x6e: {  	p0 =	sne.s32 s26, s14  }
.Ltmp2:
0x6f: {  	[bflag:$0x0] =	sbarrier.arrive $0xFFFF;
	(pc) =	sbr.rel @p0 .LBB2_1-.Ltmp2, $4  }
0x70: {  	[hbm:s13], [sflag:s6] =	dma.local [spmem:s17], $0x2800  }
0x71: {  	_ =	swait.ge [sflag:s18], $0x2800  }
0x72: {  	[sflag:s18] =	ssyncset.done $0x0  }
0x73: {  	[sflag:s18] =	ssyncadd.s32 $0xFFFFD800  }
0x74: {  	_ =	sfence.sel $0x180000  }
0x75: {  	[bflag:$0x0] =	sbarrier.arrive $0xFFFF  }
0x76: {  	_ =	strace $0x90000047  }
0x77: {  	s0 =	stileid.u32;
	[bflag:$0x2] =	sbarrier.arrive $0xFFFF  }
0x78: {  	p0 =	sne.s32 s0, $0x0;
	s0 =	rddreg [dreg:$0x3]  }
0x79: {  	s0 =	sadd.s32 @!p0 $0x100000, s0  }
0x7a: {  	[sflag:s0] =	ssyncadd.tile.s32 @!p0 $0x1;
	_ =	shalt  }
.Lfunc_end2:
_tile_overlayer_lowered:
.L_overlay_start_2:
0x7b: {  	(tag) =	ssettag $0x2  }
0x7c: {  	s0 =	rddreg [dreg:$0x0];
	s2 =	stileid.u32  }
0x7d: {  	s1 =	rddreg [dreg:$0x1];
	p0 =	sne.s32 s2, $0x0  }
0x7e: {  	s3 =	rddreg [dreg:$0x2];
	[bflag:$0x3] =	sbarrier.arrive $0xFFFF;
	s2 =	simm.s32 @!p0 $0x1C03  }
0x7f: {  	[timem:s3], [sflag:s2] =	dma.local @!p0 [hbm:s0], s1  }
0x80: {  	s0 =	simm.s32 @!p0 $0x3  }
0x81: {  	_ =	swait.ge @!p0 [sflag:s0], s1  }
0x82: {  	s1 =	ssub.s32 @!p0 $0x0, s1;
	[sflag:s0] =	ssyncset.done @!p0 $0x0  }
0x83: {  	[sflag:s0] =	ssyncadd.s32 @!p0 s1  }
0x84: {  	[bflag:$0x3] =	sbarrier.arrive $0xFFFF  }
0x85: {  	_ =	shalt  }

</sc_bundles>
